<compile_context>
chip_gen: v7x
topology: tpu7x:2x2x1
jax: 0.10.2.dev20260603
libtpu: 0.0.44.dev20260713+nightly
codegen_flags: <defaults>
</compile_context>

<pallas_src>
import functools

import jax
import jax.numpy as jnp
from jax import lax
from jax.experimental import pallas as pl
from jax.experimental.pallas import tpu as pltpu
from jax.experimental.pallas import tpu_sc as plsc

_NC = 2
_NS = 16
_NW = _NC * _NS
_REP = 8


def kernel(x, var_emb):
    B, L, D = x.shape
    V, M = var_emb.shape
    N = B * L
    NG = N // _REP
    per_w = NG // _NW

    mesh = plsc.VectorSubcoreMesh(core_axis_name="c", subcore_axis_name="s")

    @functools.partial(
        pl.kernel,
        mesh=mesh,
        out_type=jax.ShapeDtypeStruct((NG, _REP, D, M), jnp.float32),
        scratch_types=[
            pltpu.VMEM((_REP, D, M), jnp.float32),
            pltpu.SemaphoreType.DMA,
            pltpu.SemaphoreType.DMA,
        ],
    )
    def emb_broadcast(emb_hbm, out_hbm, stage_v, sem_in, sem_out):
        wid = lax.axis_index("s") * _NC + lax.axis_index("c")
        loads = [
            pltpu.async_copy(emb_hbm.at[pl.ds(0, D)], stage_v.at[r], sem_in)
            for r in range(_REP)
        ]
        for cp in loads:
            cp.wait()
        base = wid * per_w
        copies = [
            pltpu.async_copy(stage_v, out_hbm.at[base + i], sem_out)
            for i in range(per_w)
        ]
        for cp in copies:
            cp.wait()

    out = emb_broadcast(var_emb)
    return out.reshape(B, L, D, M)

# --- scband reference (transcript-rebuilt; emitter-appended) ---
"""Pipeline reference for scband-variable-embedding-qwen-31516470018548 (READ-ONLY COPY).

The authoritative reference and input builder live on the scoring server;
editing this copy changes nothing except your own understanding.
"""

import jax, jax.numpy as jnp
import numpy as np


def setup_inputs(seed: int = 0) -> dict:
    key = jax.random.key(seed)
    k1, k2 = jax.random.split(key)
    x = jax.random.normal(k1, (4, 1024, 16), dtype=jnp.float32)
    # learned parameter: nn.Embedding(c_in=64, d_model=512) weight table
    var_emb = jax.random.normal(k2, (64, 512), dtype=jnp.float32) * 0.02
    return {"x": x, "var_emb": var_emb}


def reference(x, var_emb):
    # Faithful translation of VariableEmbedding_Qwen.forward:
    #   var_idx = arange(D).view(1,1,D).expand(B,L,D); return emb(var_idx)
    B, L, D = x.shape
    var_idx = jnp.broadcast_to(jnp.arange(D, dtype=jnp.int32).reshape(1, 1, D), (B, L, D))
    out = jnp.take(var_emb, var_idx, axis=0)  # [B, L, D, d_model]
    return out

if __name__ == "__main__":
    import jax
    _d = setup_inputs()
    print(jax.jit(kernel)(*tuple(_d.values())))

</pallas_src>

<mosaic_0001>
#map = affine_map<(d0, d1) -> (0, 0)>
#map1 = affine_map<(d0, d1) -> (0, 0, 0, 0)>
module attributes {stable_mosaic.version = 14 : i64} {
  func.func @emb_broadcast(%arg0: i32, %arg1: i32, %arg2: memref<64x512xf32, #tpu.memory_space<hbm>>, %arg3: memref<512x8x16x512xf32, #tpu.memory_space<hbm>>, %arg4: memref<8x16x512xf32, #tpu.memory_space<vmem>>, %arg5: memref<!tpu.dma_semaphore, #tpu.memory_space<semaphore_mem>>, %arg6: memref<!tpu.dma_semaphore, #tpu.memory_space<semaphore_mem>>) attributes {dimension_semantics = [#tpu.dimension_semantics<core_parallel>, #tpu.dimension_semantics<subcore_parallel>], iteration_bounds = array<i64: 2, 16>, scalar_prefetch = 0 : i64, scratch_operands = 3 : i64, tpu.core_type = #tpu.core_type<sc_vector_subcore>, window_params = [{transform_indices = #map}, {transform_indices = #map1}]} {
    %mul3A = arith.constant 2 : i32
    %mul3A_0 = arith.muli %arg1, %mul3A : i32
    %add3A = arith.addi %mul3A_0, %arg0 : i32
    %dma_start3A = arith.constant 0 : i32
    %dma_start3A_1 = arith.constant 0 : i32
    %dma_start3A_2 = arith.constant 0 : i32
    %dma_start3A_3 = tpu.memref_slice %arg4[%dma_start3A, %dma_start3A_1, %dma_start3A_2] : memref<8x16x512xf32, #tpu.memory_space<vmem>> -> memref<1x16x512xf32, #tpu.memory_space<vmem>>
    %dma_start3A_4 = tpu.memref_squeeze %dma_start3A_3 : memref<1x16x512xf32, #tpu.memory_space<vmem>> -> memref<16x512xf32, #tpu.memory_space<vmem>>
    %dma_start3A_5 = arith.constant 0 : i32
    %dma_start3A_6 = arith.constant 0 : i32
    %dma_start3A_7 = tpu.memref_slice %arg2[%dma_start3A_5, %dma_start3A_6] : memref<64x512xf32, #tpu.memory_space<hbm>> -> memref<16x512xf32, #tpu.memory_space<hbm>>
    %dma_start3A_8 = arith.constant 0 : i32
    %dma_start3A_9 = arith.constant 0 : i32
    %dma_start3A_10 = tpu.memref_slice %arg4[%dma_start3A, %dma_start3A_8, %dma_start3A_9] : memref<8x16x512xf32, #tpu.memory_space<vmem>> -> memref<1x16x512xf32, #tpu.memory_space<vmem>>
    %dma_start3A_11 = tpu.memref_squeeze %dma_start3A_10 : memref<1x16x512xf32, #tpu.memory_space<vmem>> -> memref<16x512xf32, #tpu.memory_space<vmem>>
    %dma_start3A_12 = arith.constant 0 : i32
    %dma_start3A_13 = arith.constant 0 : i32
    %dma_start3A_14 = tpu.memref_slice %arg2[%dma_start3A_12, %dma_start3A_13] : memref<64x512xf32, #tpu.memory_space<hbm>> -> memref<16x512xf32, #tpu.memory_space<hbm>>
    tpu.enqueue_dma source(%dma_start3A_14 : memref<16x512xf32, #tpu.memory_space<hbm>>) target(%dma_start3A_11 : memref<16x512xf32, #tpu.memory_space<vmem>>) target_semaphore(%arg5 : memref<!tpu.dma_semaphore, #tpu.memory_space<semaphore_mem>>)
    %dma_start3A_15 = arith.constant 1 : i32
    %dma_start3A_16 = arith.constant 0 : i32
    %dma_start3A_17 = arith.constant 0 : i32
    %dma_start3A_18 = tpu.memref_slice %arg4[%dma_start3A_15, %dma_start3A_16, %dma_start3A_17] : memref<8x16x512xf32, #tpu.memory_space<vmem>> -> memref<1x16x512xf32, #tpu.memory_space<vmem>>
    %dma_start3A_19 = tpu.memref_squeeze %dma_start3A_18 : memref<1x16x512xf32, #tpu.memory_space<vmem>> -> memref<16x512xf32, #tpu.memory_space<vmem>>
    %dma_start3A_20 = arith.constant 0 : i32
    %dma_start3A_21 = arith.constant 0 : i32
    %dma_start3A_22 = tpu.memref_slice %arg2[%dma_start3A_20, %dma_start3A_21] : memref<64x512xf32, #tpu.memory_space<hbm>> -> memref<16x512xf32, #tpu.memory_space<hbm>>
    %dma_start3A_23 = arith.constant 0 : i32
    %dma_start3A_24 = arith.constant 0 : i32
    %dma_start3A_25 = tpu.memref_slice %arg4[%dma_start3A_15, %dma_start3A_23, %dma_start3A_24] : memref<8x16x512xf32, #tpu.memory_space<vmem>> -> memref<1x16x512xf32, #tpu.memory_space<vmem>>
    %dma_start3A_26 = tpu.memref_squeeze %dma_start3A_25 : memref<1x16x512xf32, #tpu.memory_space<vmem>> -> memref<16x512xf32, #tpu.memory_space<vmem>>
    %dma_start3A_27 = arith.constant 0 : i32
    %dma_start3A_28 = arith.constant 0 : i32
    %dma_start3A_29 = tpu.memref_slice %arg2[%dma_start3A_27, %dma_start3A_28] : memref<64x512xf32, #tpu.memory_space<hbm>> -> memref<16x512xf32, #tpu.memory_space<hbm>>
    tpu.enqueue_dma source(%dma_start3A_29 : memref<16x512xf32, #tpu.memory_space<hbm>>) target(%dma_start3A_26 : memref<16x512xf32, #tpu.memory_space<vmem>>) target_semaphore(%arg5 : memref<!tpu.dma_semaphore, #tpu.memory_space<semaphore_mem>>)
    %dma_start3A_30 = arith.constant 2 : i32
    %dma_start3A_31 = arith.constant 0 : i32
    %dma_start3A_32 = arith.constant 0 : i32
    %dma_start3A_33 = tpu.memref_slice %arg4[%dma_start3A_30, %dma_start3A_31, %dma_start3A_32] : memref<8x16x512xf32, #tpu.memory_space<vmem>> -> memref<1x16x512xf32, #tpu.memory_space<vmem>>
    %dma_start3A_34 = tpu.memref_squeeze %dma_start3A_33 : memref<1x16x512xf32, #tpu.memory_space<vmem>> -> memref<16x512xf32, #tpu.memory_space<vmem>>
    %dma_start3A_35 = arith.constant 0 : i32
    %dma_start3A_36 = arith.constant 0 : i32
    %dma_start3A_37 = tpu.memref_slice %arg2[%dma_start3A_35, %dma_start3A_36] : memref<64x512xf32, #tpu.memory_space<hbm>> -> memref<16x512xf32, #tpu.memory_space<hbm>>
    %dma_start3A_38 = arith.constant 0 : i32
    %dma_start3A_39 = arith.constant 0 : i32
    %dma_start3A_40 = tpu.memref_slice %arg4[%dma_start3A_30, %dma_start3A_38, %dma_start3A_39] : memref<8x16x512xf32, #tpu.memory_space<vmem>> -> memref<1x16x512xf32, #tpu.memory_space<vmem>>
    %dma_start3A_41 = tpu.memref_squeeze %dma_start3A_40 : memref<1x16x512xf32, #tpu.memory_space<vmem>> -> memref<16x512xf32, #tpu.memory_space<vmem>>
    %dma_start3A_42 = arith.constant 0 : i32
    %dma_start3A_43 = arith.constant 0 : i32
    %dma_start3A_44 = tpu.memref_slice %arg2[%dma_start3A_42, %dma_start3A_43] : memref<64x512xf32, #tpu.memory_space<hbm>> -> memref<16x512xf32, #tpu.memory_space<hbm>>
    tpu.enqueue_dma source(%dma_start3A_44 : memref<16x512xf32, #tpu.memory_space<hbm>>) target(%dma_start3A_41 : memref<16x512xf32, #tpu.memory_space<vmem>>) target_semaphore(%arg5 : memref<!tpu.dma_semaphore, #tpu.memory_space<semaphore_mem>>)
    %dma_start3A_45 = arith.constant 3 : i32
    %dma_start3A_46 = arith.constant 0 : i32
    %dma_start3A_47 = arith.constant 0 : i32
    %dma_start3A_48 = tpu.memref_slice %arg4[%dma_start3A_45, %dma_start3A_46, %dma_start3A_47] : memref<8x16x512xf32, #tpu.memory_space<vmem>> -> memref<1x16x512xf32, #tpu.memory_space<vmem>>
    %dma_start3A_49 = tpu.memref_squeeze %dma_start3A_48 : memref<1x16x512xf32, #tpu.memory_space<vmem>> -> memref<16x512xf32, #tpu.memory_space<vmem>>
    %dma_start3A_50 = arith.constant 0 : i32
    %dma_start3A_51 = arith.constant 0 : i32
    %dma_start3A_52 = tpu.memref_slice %arg2[%dma_start3A_50, %dma_start3A_51] : memref<64x512xf32, #tpu.memory_space<hbm>> -> memref<16x512xf32, #tpu.memory_space<hbm>>
    %dma_start3A_53 = arith.constant 0 : i32
    %dma_start3A_54 = arith.constant 0 : i32
    %dma_start3A_55 = tpu.memref_slice %arg4[%dma_start3A_45, %dma_start3A_53, %dma_start3A_54] : memref<8x16x512xf32, #tpu.memory_space<vmem>> -> memref<1x16x512xf32, #tpu.memory_space<vmem>>
    %dma_start3A_56 = tpu.memref_squeeze %dma_start3A_55 : memref<1x16x512xf32, #tpu.memory_space<vmem>> -> memref<16x512xf32, #tpu.memory_space<vmem>>
    %dma_start3A_57 = arith.constant 0 : i32
    %dma_start3A_58 = arith.constant 0 : i32
    %dma_start3A_59 = tpu.memref_slice %arg2[%dma_start3A_57, %dma_start3A_58] : memref<64x512xf32, #tpu.memory_space<hbm>> -> memref<16x512xf32, #tpu.memory_space<hbm>>
    tpu.enqueue_dma source(%dma_start3A_59 : memref<16x512xf32, #tpu.memory_space<hbm>>) target(%dma_start3A_56 : memref<16x512xf32, #tpu.memory_space<vmem>>) target_semaphore(%arg5 : memref<!tpu.dma_semaphore, #tpu.memory_space<semaphore_mem>>)
    %dma_start3A_60 = arith.constant 4 : i32
    %dma_start3A_61 = arith.constant 0 : i32
    %dma_start3A_62 = arith.constant 0 : i32
    %dma_start3A_63 = tpu.memref_slice %arg4[%dma_start3A_60, %dma_start3A_61, %dma_start3A_62] : memref<8x16x512xf32, #tpu.memory_space<vmem>> -> memref<1x16x512xf32, #tpu.memory_space<vmem>>
    %dma_start3A_64 = tpu.memref_squeeze %dma_start3A_63 : memref<1x16x512xf32, #tpu.memory_space<vmem>> -> memref<16x512xf32, #tpu.memory_space<vmem>>
    %dma_start3A_65 = arith.constant 0 : i32
    %dma_start3A_66 = arith.constant 0 : i32
    %dma_start3A_67 = tpu.memref_slice %arg2[%dma_start3A_65, %dma_start3A_66] : memref<64x512xf32, #tpu.memory_space<hbm>> -> memref<16x512xf32, #tpu.memory_space<hbm>>
    %dma_start3A_68 = arith.constant 0 : i32
    %dma_start3A_69 = arith.constant 0 : i32
    %dma_start3A_70 = tpu.memref_slice %arg4[%dma_start3A_60, %dma_start3A_68, %dma_start3A_69] : memref<8x16x512xf32, #tpu.memory_space<vmem>> -> memref<1x16x512xf32, #tpu.memory_space<vmem>>
    %dma_start3A_71 = tpu.memref_squeeze %dma_start3A_70 : memref<1x16x512xf32, #tpu.memory_space<vmem>> -> memref<16x512xf32, #tpu.memory_space<vmem>>
    %dma_start3A_72 = arith.constant 0 : i32
    %dma_start3A_73 = arith.constant 0 : i32
    %dma_start3A_74 = tpu.memref_slice %arg2[%dma_start3A_72, %dma_start3A_73] : memref<64x512xf32, #tpu.memory_space<hbm>> -> memref<16x512xf32, #tpu.memory_space<hbm>>
    tpu.enqueue_dma source(%dma_start3A_74 : memref<16x512xf32, #tpu.memory_space<hbm>>) target(%dma_start3A_71 : memref<16x512xf32, #tpu.memory_space<vmem>>) target_semaphore(%arg5 : memref<!tpu.dma_semaphore, #tpu.memory_space<semaphore_mem>>)
    %dma_start3A_75 = arith.constant 5 : i32
    %dma_start3A_76 = arith.constant 0 : i32
    %dma_start3A_77 = arith.constant 0 : i32
    %dma_start3A_78 = tpu.memref_slice %arg4[%dma_start3A_75, %dma_start3A_76, %dma_start3A_77] : memref<8x16x512xf32, #tpu.memory_space<vmem>> -> memref<1x16x512xf32, #tpu.memory_space<vmem>>
    %dma_start3A_79 = tpu.memref_squeeze %dma_start3A_78 : memref<1x16x512xf32, #tpu.memory_space<vmem>> -> memref<16x512xf32, #tpu.memory_space<vmem>>
    %dma_start3A_80 = arith.constant 0 : i32
    %dma_start3A_81 = arith.constant 0 : i32
    %dma_start3A_82 = tpu.memref_slice %arg2[%dma_start3A_80, %dma_start3A_81] : memref<64x512xf32, #tpu.memory_space<hbm>> -> memref<16x512xf32, #tpu.memory_space<hbm>>
    %dma_start3A_83 = arith.constant 0 : i32
    %dma_start3A_84 = arith.constant 0 : i32
    %dma_start3A_85 = tpu.memref_slice %arg4[%dma_start3A_75, %dma_start3A_83, %dma_start3A_84] : memref<8x16x512xf32, #tpu.memory_space<vmem>> -> memref<1x16x512xf32, #tpu.memory_space<vmem>>
    %dma_start3A_86 = tpu.memref_squeeze %dma_start3A_85 : memref<1x16x512xf32, #tpu.memory_space<vmem>> -> memref<16x512xf32, #tpu.memory_space<vmem>>
    %dma_start3A_87 = arith.constant 0 : i32
    %dma_start3A_88 = arith.constant 0 : i32
    %dma_start3A_89 = tpu.memref_slice %arg2[%dma_start3A_87, %dma_start3A_88] : memref<64x512xf32, #tpu.memory_space<hbm>> -> memref<16x512xf32, #tpu.memory_space<hbm>>
    tpu.enqueue_dma source(%dma_start3A_89 : memref<16x512xf32, #tpu.memory_space<hbm>>) target(%dma_start3A_86 : memref<16x512xf32, #tpu.memory_space<vmem>>) target_semaphore(%arg5 : memref<!tpu.dma_semaphore, #tpu.memory_space<semaphore_mem>>)
    %dma_start3A_90 = arith.constant 6 : i32
    %dma_start3A_91 = arith.constant 0 : i32
    %dma_start3A_92 = arith.constant 0 : i32
    %dma_start3A_93 = tpu.memref_slice %arg4[%dma_start3A_90, %dma_start3A_91, %dma_start3A_92] : memref<8x16x512xf32, #tpu.memory_space<vmem>> -> memref<1x16x512xf32, #tpu.memory_space<vmem>>
    %dma_start3A_94 = tpu.memref_squeeze %dma_start3A_93 : memref<1x16x512xf32, #tpu.memory_space<vmem>> -> memref<16x512xf32, #tpu.memory_space<vmem>>
    %dma_start3A_95 = arith.constant 0 : i32
    %dma_start3A_96 = arith.constant 0 : i32
    %dma_start3A_97 = tpu.memref_slice %arg2[%dma_start3A_95, %dma_start3A_96] : memref<64x512xf32, #tpu.memory_space<hbm>> -> memref<16x512xf32, #tpu.memory_space<hbm>>
    %dma_start3A_98 = arith.constant 0 : i32
    %dma_start3A_99 = arith.constant 0 : i32
    %dma_start3A_100 = tpu.memref_slice %arg4[%dma_start3A_90, %dma_start3A_98, %dma_start3A_99] : memref<8x16x512xf32, #tpu.memory_space<vmem>> -> memref<1x16x512xf32, #tpu.memory_space<vmem>>
    %dma_start3A_101 = tpu.memref_squeeze %dma_start3A_100 : memref<1x16x512xf32, #tpu.memory_space<vmem>> -> memref<16x512xf32, #tpu.memory_space<vmem>>
    %dma_start3A_102 = arith.constant 0 : i32
    %dma_start3A_103 = arith.constant 0 : i32
    %dma_start3A_104 = tpu.memref_slice %arg2[%dma_start3A_102, %dma_start3A_103] : memref<64x512xf32, #tpu.memory_space<hbm>> -> memref<16x512xf32, #tpu.memory_space<hbm>>
    tpu.enqueue_dma source(%dma_start3A_104 : memref<16x512xf32, #tpu.memory_space<hbm>>) target(%dma_start3A_101 : memref<16x512xf32, #tpu.memory_space<vmem>>) target_semaphore(%arg5 : memref<!tpu.dma_semaphore, #tpu.memory_space<semaphore_mem>>)
    %dma_start3A_105 = arith.constant 7 : i32
    %dma_start3A_106 = arith.constant 0 : i32
    %dma_start3A_107 = arith.constant 0 : i32
    %dma_start3A_108 = tpu.memref_slice %arg4[%dma_start3A_105, %dma_start3A_106, %dma_start3A_107] : memref<8x16x512xf32, #tpu.memory_space<vmem>> -> memref<1x16x512xf32, #tpu.memory_space<vmem>>
    %dma_start3A_109 = tpu.memref_squeeze %dma_start3A_108 : memref<1x16x512xf32, #tpu.memory_space<vmem>> -> memref<16x512xf32, #tpu.memory_space<vmem>>
    %dma_start3A_110 = arith.constant 0 : i32
    %dma_start3A_111 = arith.constant 0 : i32
    %dma_start3A_112 = tpu.memref_slice %arg2[%dma_start3A_110, %dma_start3A_111] : memref<64x512xf32, #tpu.memory_space<hbm>> -> memref<16x512xf32, #tpu.memory_space<hbm>>
    %dma_start3A_113 = arith.constant 0 : i32
    %dma_start3A_114 = arith.constant 0 : i32
    %dma_start3A_115 = tpu.memref_slice %arg4[%dma_start3A_105, %dma_start3A_113, %dma_start3A_114] : memref<8x16x512xf32, #tpu.memory_space<vmem>> -> memref<1x16x512xf32, #tpu.memory_space<vmem>>
    %dma_start3A_116 = tpu.memref_squeeze %dma_start3A_115 : memref<1x16x512xf32, #tpu.memory_space<vmem>> -> memref<16x512xf32, #tpu.memory_space<vmem>>
    %dma_start3A_117 = arith.constant 0 : i32
    %dma_start3A_118 = arith.constant 0 : i32
    %dma_start3A_119 = tpu.memref_slice %arg2[%dma_start3A_117, %dma_start3A_118] : memref<64x512xf32, #tpu.memory_space<hbm>> -> memref<16x512xf32, #tpu.memory_space<hbm>>
    tpu.enqueue_dma source(%dma_start3A_119 : memref<16x512xf32, #tpu.memory_space<hbm>>) target(%dma_start3A_116 : memref<16x512xf32, #tpu.memory_space<vmem>>) target_semaphore(%arg5 : memref<!tpu.dma_semaphore, #tpu.memory_space<semaphore_mem>>)
    %dma_wait3A = arith.constant 0 : i32
    %dma_wait3A_120 = arith.constant 0 : i32
    %dma_wait3A_121 = arith.constant 0 : i32
    %dma_wait3A_122 = tpu.memref_slice %arg4[%dma_wait3A, %dma_wait3A_120, %dma_wait3A_121] : memref<8x16x512xf32, #tpu.memory_space<vmem>> -> memref<1x16x512xf32, #tpu.memory_space<vmem>>
    %dma_wait3A_123 = tpu.memref_squeeze %dma_wait3A_122 : memref<1x16x512xf32, #tpu.memory_space<vmem>> -> memref<16x512xf32, #tpu.memory_space<vmem>>
    %dma_wait3A_124 = arith.constant 0 : i32
    %dma_wait3A_125 = arith.constant 0 : i32
    %dma_wait3A_126 = tpu.memref_slice %arg2[%dma_wait3A_124, %dma_wait3A_125] : memref<64x512xf32, #tpu.memory_space<hbm>> -> memref<16x512xf32, #tpu.memory_space<hbm>>
    %dma_wait3A_127 = arith.constant 0 : i32
    %dma_wait3A_128 = arith.constant 0 : i32
    %dma_wait3A_129 = tpu.memref_slice %arg4[%dma_wait3A, %dma_wait3A_127, %dma_wait3A_128] : memref<8x16x512xf32, #tpu.memory_space<vmem>> -> memref<1x16x512xf32, #tpu.memory_space<vmem>>
    %dma_wait3A_130 = tpu.memref_squeeze %dma_wait3A_129 : memref<1x16x512xf32, #tpu.memory_space<vmem>> -> memref<16x512xf32, #tpu.memory_space<vmem>>
    %dma_wait3A_131 = arith.constant 0 : i32
    %dma_wait3A_132 = arith.constant 0 : i32
    %dma_wait3A_133 = tpu.memref_slice %arg2[%dma_wait3A_131, %dma_wait3A_132] : memref<64x512xf32, #tpu.memory_space<hbm>> -> memref<16x512xf32, #tpu.memory_space<hbm>>
    tpu.wait_dma2 semaphore(%arg5 : memref<!tpu.dma_semaphore, #tpu.memory_space<semaphore_mem>>) src(%dma_wait3A_133 : memref<16x512xf32, #tpu.memory_space<hbm>>) dst(%dma_wait3A_130 : memref<16x512xf32, #tpu.memory_space<vmem>>)
    %dma_wait3A_134 = arith.constant 1 : i32
    %dma_wait3A_135 = arith.constant 0 : i32
    %dma_wait3A_136 = arith.constant 0 : i32
    %dma_wait3A_137 = tpu.memref_slice %arg4[%dma_wait3A_134, %dma_wait3A_135, %dma_wait3A_136] : memref<8x16x512xf32, #tpu.memory_space<vmem>> -> memref<1x16x512xf32, #tpu.memory_space<vmem>>
    %dma_wait3A_138 = tpu.memref_squeeze %dma_wait3A_137 : memref<1x16x512xf32, #tpu.memory_space<vmem>> -> memref<16x512xf32, #tpu.memory_space<vmem>>
    %dma_wait3A_139 = arith.constant 0 : i32
    %dma_wait3A_140 = arith.constant 0 : i32
    %dma_wait3A_141 = tpu.memref_slice %arg2[%dma_wait3A_139, %dma_wait3A_140] : memref<64x512xf32, #tpu.memory_space<hbm>> -> memref<16x512xf32, #tpu.memory_space<hbm>>
    %dma_wait3A_142 = arith.constant 0 : i32
    %dma_wait3A_143 = arith.constant 0 : i32
    %dma_wait3A_144 = tpu.memref_slice %arg4[%dma_wait3A_134, %dma_wait3A_142, %dma_wait3A_143] : memref<8x16x512xf32, #tpu.memory_space<vmem>> -> memref<1x16x512xf32, #tpu.memory_space<vmem>>
    %dma_wait3A_145 = tpu.memref_squeeze %dma_wait3A_144 : memref<1x16x512xf32, #tpu.memory_space<vmem>> -> memref<16x512xf32, #tpu.memory_space<vmem>>
    %dma_wait3A_146 = arith.constant 0 : i32
    %dma_wait3A_147 = arith.constant 0 : i32
    %dma_wait3A_148 = tpu.memref_slice %arg2[%dma_wait3A_146, %dma_wait3A_147] : memref<64x512xf32, #tpu.memory_space<hbm>> -> memref<16x512xf32, #tpu.memory_space<hbm>>
    tpu.wait_dma2 semaphore(%arg5 : memref<!tpu.dma_semaphore, #tpu.memory_space<semaphore_mem>>) src(%dma_wait3A_148 : memref<16x512xf32, #tpu.memory_space<hbm>>) dst(%dma_wait3A_145 : memref<16x512xf32, #tpu.memory_space<vmem>>)
    %dma_wait3A_149 = arith.constant 2 : i32
    %dma_wait3A_150 = arith.constant 0 : i32
    %dma_wait3A_151 = arith.constant 0 : i32
    %dma_wait3A_152 = tpu.memref_slice %arg4[%dma_wait3A_149, %dma_wait3A_150, %dma_wait3A_151] : memref<8x16x512xf32, #tpu.memory_space<vmem>> -> memref<1x16x512xf32, #tpu.memory_space<vmem>>
    %dma_wait3A_153 = tpu.memref_squeeze %dma_wait3A_152 : memref<1x16x512xf32, #tpu.memory_space<vmem>> -> memref<16x512xf32, #tpu.memory_space<vmem>>
    %dma_wait3A_154 = arith.constant 0 : i32
    %dma_wait3A_155 = arith.constant 0 : i32
    %dma_wait3A_156 = tpu.memref_slice %arg2[%dma_wait3A_154, %dma_wait3A_155] : memref<64x512xf32, #tpu.memory_space<hbm>> -> memref<16x512xf32, #tpu.memory_space<hbm>>
    %dma_wait3A_157 = arith.constant 0 : i32
    %dma_wait3A_158 = arith.constant 0 : i32
    %dma_wait3A_159 = tpu.memref_slice %arg4[%dma_wait3A_149, %dma_wait3A_157, %dma_wait3A_158] : memref<8x16x512xf32, #tpu.memory_space<vmem>> -> memref<1x16x512xf32, #tpu.memory_space<vmem>>
    %dma_wait3A_160 = tpu.memref_squeeze %dma_wait3A_159 : memref<1x16x512xf32, #tpu.memory_space<vmem>> -> memref<16x512xf32, #tpu.memory_space<vmem>>
    %dma_wait3A_161 = arith.constant 0 : i32
    %dma_wait3A_162 = arith.constant 0 : i32
    %dma_wait3A_163 = tpu.memref_slice %arg2[%dma_wait3A_161, %dma_wait3A_162] : memref<64x512xf32, #tpu.memory_space<hbm>> -> memref<16x512xf32, #tpu.memory_space<hbm>>
    tpu.wait_dma2 semaphore(%arg5 : memref<!tpu.dma_semaphore, #tpu.memory_space<semaphore_mem>>) src(%dma_wait3A_163 : memref<16x512xf32, #tpu.memory_space<hbm>>) dst(%dma_wait3A_160 : memref<16x512xf32, #tpu.memory_space<vmem>>)
    %dma_wait3A_164 = arith.constant 3 : i32
    %dma_wait3A_165 = arith.constant 0 : i32
    %dma_wait3A_166 = arith.constant 0 : i32
    %dma_wait3A_167 = tpu.memref_slice %arg4[%dma_wait3A_164, %dma_wait3A_165, %dma_wait3A_166] : memref<8x16x512xf32, #tpu.memory_space<vmem>> -> memref<1x16x512xf32, #tpu.memory_space<vmem>>
    %dma_wait3A_168 = tpu.memref_squeeze %dma_wait3A_167 : memref<1x16x512xf32, #tpu.memory_space<vmem>> -> memref<16x512xf32, #tpu.memory_space<vmem>>
    %dma_wait3A_169 = arith.constant 0 : i32
    %dma_wait3A_170 = arith.constant 0 : i32
    %dma_wait3A_171 = tpu.memref_slice %arg2[%dma_wait3A_169, %dma_wait3A_170] : memref<64x512xf32, #tpu.memory_space<hbm>> -> memref<16x512xf32, #tpu.memory_space<hbm>>
    %dma_wait3A_172 = arith.constant 0 : i32
    %dma_wait3A_173 = arith.constant 0 : i32
    %dma_wait3A_174 = tpu.memref_slice %arg4[%dma_wait3A_164, %dma_wait3A_172, %dma_wait3A_173] : memref<8x16x512xf32, #tpu.memory_space<vmem>> -> memref<1x16x512xf32, #tpu.memory_space<vmem>>
    %dma_wait3A_175 = tpu.memref_squeeze %dma_wait3A_174 : memref<1x16x512xf32, #tpu.memory_space<vmem>> -> memref<16x512xf32, #tpu.memory_space<vmem>>
    %dma_wait3A_176 = arith.constant 0 : i32
    %dma_wait3A_177 = arith.constant 0 : i32
    %dma_wait3A_178 = tpu.memref_slice %arg2[%dma_wait3A_176, %dma_wait3A_177] : memref<64x512xf32, #tpu.memory_space<hbm>> -> memref<16x512xf32, #tpu.memory_space<hbm>>
    tpu.wait_dma2 semaphore(%arg5 : memref<!tpu.dma_semaphore, #tpu.memory_space<semaphore_mem>>) src(%dma_wait3A_178 : memref<16x512xf32, #tpu.memory_space<hbm>>) dst(%dma_wait3A_175 : memref<16x512xf32, #tpu.memory_space<vmem>>)
    %dma_wait3A_179 = arith.constant 4 : i32
    %dma_wait3A_180 = arith.constant 0 : i32
    %dma_wait3A_181 = arith.constant 0 : i32
    %dma_wait3A_182 = tpu.memref_slice %arg4[%dma_wait3A_179, %dma_wait3A_180, %dma_wait3A_181] : memref<8x16x512xf32, #tpu.memory_space<vmem>> -> memref<1x16x512xf32, #tpu.memory_space<vmem>>
    %dma_wait3A_183 = tpu.memref_squeeze %dma_wait3A_182 : memref<1x16x512xf32, #tpu.memory_space<vmem>> -> memref<16x512xf32, #tpu.memory_space<vmem>>
    %dma_wait3A_184 = arith.constant 0 : i32
    %dma_wait3A_185 = arith.constant 0 : i32
    %dma_wait3A_186 = tpu.memref_slice %arg2[%dma_wait3A_184, %dma_wait3A_185] : memref<64x512xf32, #tpu.memory_space<hbm>> -> memref<16x512xf32, #tpu.memory_space<hbm>>
    %dma_wait3A_187 = arith.constant 0 : i32
    %dma_wait3A_188 = arith.constant 0 : i32
    %dma_wait3A_189 = tpu.memref_slice %arg4[%dma_wait3A_179, %dma_wait3A_187, %dma_wait3A_188] : memref<8x16x512xf32, #tpu.memory_space<vmem>> -> memref<1x16x512xf32, #tpu.memory_space<vmem>>
    %dma_wait3A_190 = tpu.memref_squeeze %dma_wait3A_189 : memref<1x16x512xf32, #tpu.memory_space<vmem>> -> memref<16x512xf32, #tpu.memory_space<vmem>>
    %dma_wait3A_191 = arith.constant 0 : i32
    %dma_wait3A_192 = arith.constant 0 : i32
    %dma_wait3A_193 = tpu.memref_slice %arg2[%dma_wait3A_191, %dma_wait3A_192] : memref<64x512xf32, #tpu.memory_space<hbm>> -> memref<16x512xf32, #tpu.memory_space<hbm>>
    tpu.wait_dma2 semaphore(%arg5 : memref<!tpu.dma_semaphore, #tpu.memory_space<semaphore_mem>>) src(%dma_wait3A_193 : memref<16x512xf32, #tpu.memory_space<hbm>>) dst(%dma_wait3A_190 : memref<16x512xf32, #tpu.memory_space<vmem>>)
    %dma_wait3A_194 = arith.constant 5 : i32
    %dma_wait3A_195 = arith.constant 0 : i32
    %dma_wait3A_196 = arith.constant 0 : i32
    %dma_wait3A_197 = tpu.memref_slice %arg4[%dma_wait3A_194, %dma_wait3A_195, %dma_wait3A_196] : memref<8x16x512xf32, #tpu.memory_space<vmem>> -> memref<1x16x512xf32, #tpu.memory_space<vmem>>
    %dma_wait3A_198 = tpu.memref_squeeze %dma_wait3A_197 : memref<1x16x512xf32, #tpu.memory_space<vmem>> -> memref<16x512xf32, #tpu.memory_space<vmem>>
    %dma_wait3A_199 = arith.constant 0 : i32
    %dma_wait3A_200 = arith.constant 0 : i32
    %dma_wait3A_201 = tpu.memref_slice %arg2[%dma_wait3A_199, %dma_wait3A_200] : memref<64x512xf32, #tpu.memory_space<hbm>> -> memref<16x512xf32, #tpu.memory_space<hbm>>
    %dma_wait3A_202 = arith.constant 0 : i32
    %dma_wait3A_203 = arith.constant 0 : i32
    %dma_wait3A_204 = tpu.memref_slice %arg4[%dma_wait3A_194, %dma_wait3A_202, %dma_wait3A_203] : memref<8x16x512xf32, #tpu.memory_space<vmem>> -> memref<1x16x512xf32, #tpu.memory_space<vmem>>
    %dma_wait3A_205 = tpu.memref_squeeze %dma_wait3A_204 : memref<1x16x512xf32, #tpu.memory_space<vmem>> -> memref<16x512xf32, #tpu.memory_space<vmem>>
    %dma_wait3A_206 = arith.constant 0 : i32
    %dma_wait3A_207 = arith.constant 0 : i32
    %dma_wait3A_208 = tpu.memref_slice %arg2[%dma_wait3A_206, %dma_wait3A_207] : memref<64x512xf32, #tpu.memory_space<hbm>> -> memref<16x512xf32, #tpu.memory_space<hbm>>
    tpu.wait_dma2 semaphore(%arg5 : memref<!tpu.dma_semaphore, #tpu.memory_space<semaphore_mem>>) src(%dma_wait3A_208 : memref<16x512xf32, #tpu.memory_space<hbm>>) dst(%dma_wait3A_205 : memref<16x512xf32, #tpu.memory_space<vmem>>)
    %dma_wait3A_209 = arith.constant 6 : i32
    %dma_wait3A_210 = arith.constant 0 : i32
    %dma_wait3A_211 = arith.constant 0 : i32
    %dma_wait3A_212 = tpu.memref_slice %arg4[%dma_wait3A_209, %dma_wait3A_210, %dma_wait3A_211] : memref<8x16x512xf32, #tpu.memory_space<vmem>> -> memref<1x16x512xf32, #tpu.memory_space<vmem>>
    %dma_wait3A_213 = tpu.memref_squeeze %dma_wait3A_212 : memref<1x16x512xf32, #tpu.memory_space<vmem>> -> memref<16x512xf32, #tpu.memory_space<vmem>>
    %dma_wait3A_214 = arith.constant 0 : i32
    %dma_wait3A_215 = arith.constant 0 : i32
    %dma_wait3A_216 = tpu.memref_slice %arg2[%dma_wait3A_214, %dma_wait3A_215] : memref<64x512xf32, #tpu.memory_space<hbm>> -> memref<16x512xf32, #tpu.memory_space<hbm>>
    %dma_wait3A_217 = arith.constant 0 : i32
    %dma_wait3A_218 = arith.constant 0 : i32
    %dma_wait3A_219 = tpu.memref_slice %arg4[%dma_wait3A_209, %dma_wait3A_217, %dma_wait3A_218] : memref<8x16x512xf32, #tpu.memory_space<vmem>> -> memref<1x16x512xf32, #tpu.memory_space<vmem>>
    %dma_wait3A_220 = tpu.memref_squeeze %dma_wait3A_219 : memref<1x16x512xf32, #tpu.memory_space<vmem>> -> memref<16x512xf32, #tpu.memory_space<vmem>>
    %dma_wait3A_221 = arith.constant 0 : i32
    %dma_wait3A_222 = arith.constant 0 : i32
    %dma_wait3A_223 = tpu.memref_slice %arg2[%dma_wait3A_221, %dma_wait3A_222] : memref<64x512xf32, #tpu.memory_space<hbm>> -> memref<16x512xf32, #tpu.memory_space<hbm>>
    tpu.wait_dma2 semaphore(%arg5 : memref<!tpu.dma_semaphore, #tpu.memory_space<semaphore_mem>>) src(%dma_wait3A_223 : memref<16x512xf32, #tpu.memory_space<hbm>>) dst(%dma_wait3A_220 : memref<16x512xf32, #tpu.memory_space<vmem>>)
    %dma_wait3A_224 = arith.constant 7 : i32
    %dma_wait3A_225 = arith.constant 0 : i32
    %dma_wait3A_226 = arith.constant 0 : i32
    %dma_wait3A_227 = tpu.memref_slice %arg4[%dma_wait3A_224, %dma_wait3A_225, %dma_wait3A_226] : memref<8x16x512xf32, #tpu.memory_space<vmem>> -> memref<1x16x512xf32, #tpu.memory_space<vmem>>
    %dma_wait3A_228 = tpu.memref_squeeze %dma_wait3A_227 : memref<1x16x512xf32, #tpu.memory_space<vmem>> -> memref<16x512xf32, #tpu.memory_space<vmem>>
    %dma_wait3A_229 = arith.constant 0 : i32
    %dma_wait3A_230 = arith.constant 0 : i32
    %dma_wait3A_231 = tpu.memref_slice %arg2[%dma_wait3A_229, %dma_wait3A_230] : memref<64x512xf32, #tpu.memory_space<hbm>> -> memref<16x512xf32, #tpu.memory_space<hbm>>
    %dma_wait3A_232 = arith.constant 0 : i32
    %dma_wait3A_233 = arith.constant 0 : i32
    %dma_wait3A_234 = tpu.memref_slice %arg4[%dma_wait3A_224, %dma_wait3A_232, %dma_wait3A_233] : memref<8x16x512xf32, #tpu.memory_space<vmem>> -> memref<1x16x512xf32, #tpu.memory_space<vmem>>
    %dma_wait3A_235 = tpu.memref_squeeze %dma_wait3A_234 : memref<1x16x512xf32, #tpu.memory_space<vmem>> -> memref<16x512xf32, #tpu.memory_space<vmem>>
    %dma_wait3A_236 = arith.constant 0 : i32
    %dma_wait3A_237 = arith.constant 0 : i32
    %dma_wait3A_238 = tpu.memref_slice %arg2[%dma_wait3A_236, %dma_wait3A_237] : memref<64x512xf32, #tpu.memory_space<hbm>> -> memref<16x512xf32, #tpu.memory_space<hbm>>
    tpu.wait_dma2 semaphore(%arg5 : memref<!tpu.dma_semaphore, #tpu.memory_space<semaphore_mem>>) src(%dma_wait3A_238 : memref<16x512xf32, #tpu.memory_space<hbm>>) dst(%dma_wait3A_235 : memref<16x512xf32, #tpu.memory_space<vmem>>)
    %mul3A_239 = arith.constant 16 : i32
    %mul3A_240 = arith.muli %add3A, %mul3A_239 : i32
    %add3A_241 = arith.constant 0 : i32
    %add3A_242 = arith.addi %mul3A_240, %add3A_241 : i32
    %dma_start3A_243 = arith.constant 0 : i32
    %dma_start3A_244 = arith.constant 0 : i32
    %dma_start3A_245 = arith.constant 0 : i32
    %dma_start3A_246 = tpu.memref_slice %arg3[%add3A_242, %dma_start3A_243, %dma_start3A_244, %dma_start3A_245] : memref<512x8x16x512xf32, #tpu.memory_space<hbm>> -> memref<1x8x16x512xf32, #tpu.memory_space<hbm>>
    %dma_start3A_247 = tpu.memref_squeeze %dma_start3A_246 : memref<1x8x16x512xf32, #tpu.memory_space<hbm>> -> memref<8x16x512xf32, #tpu.memory_space<hbm>>
    %dma_start3A_248 = arith.constant 0 : i32
    %dma_start3A_249 = arith.constant 0 : i32
    %dma_start3A_250 = arith.constant 0 : i32
    %dma_start3A_251 = tpu.memref_slice %arg3[%add3A_242, %dma_start3A_248, %dma_start3A_249, %dma_start3A_250] : memref<512x8x16x512xf32, #tpu.memory_space<hbm>> -> memref<1x8x16x512xf32, #tpu.memory_space<hbm>>
    %dma_start3A_252 = tpu.memref_squeeze %dma_start3A_251 : memref<1x8x16x512xf32, #tpu.memory_space<hbm>> -> memref<8x16x512xf32, #tpu.memory_space<hbm>>
    tpu.enqueue_dma source(%arg4 : memref<8x16x512xf32, #tpu.memory_space<vmem>>) target(%dma_start3A_252 : memref<8x16x512xf32, #tpu.memory_space<hbm>>) target_semaphore(%arg6 : memref<!tpu.dma_semaphore, #tpu.memory_space<semaphore_mem>>)
    %add3A_253 = arith.constant 1 : i32
    %add3A_254 = arith.addi %mul3A_240, %add3A_253 : i32
    %dma_start3A_255 = arith.constant 0 : i32
    %dma_start3A_256 = arith.constant 0 : i32
    %dma_start3A_257 = arith.constant 0 : i32
    %dma_start3A_258 = tpu.memref_slice %arg3[%add3A_254, %dma_start3A_255, %dma_start3A_256, %dma_start3A_257] : memref<512x8x16x512xf32, #tpu.memory_space<hbm>> -> memref<1x8x16x512xf32, #tpu.memory_space<hbm>>
    %dma_start3A_259 = tpu.memref_squeeze %dma_start3A_258 : memref<1x8x16x512xf32, #tpu.memory_space<hbm>> -> memref<8x16x512xf32, #tpu.memory_space<hbm>>
    %dma_start3A_260 = arith.constant 0 : i32
    %dma_start3A_261 = arith.constant 0 : i32
    %dma_start3A_262 = arith.constant 0 : i32
    %dma_start3A_263 = tpu.memref_slice %arg3[%add3A_254, %dma_start3A_260, %dma_start3A_261, %dma_start3A_262] : memref<512x8x16x512xf32, #tpu.memory_space<hbm>> -> memref<1x8x16x512xf32, #tpu.memory_space<hbm>>
    %dma_start3A_264 = tpu.memref_squeeze %dma_start3A_263 : memref<1x8x16x512xf32, #tpu.memory_space<hbm>> -> memref<8x16x512xf32, #tpu.memory_space<hbm>>
    tpu.enqueue_dma source(%arg4 : memref<8x16x512xf32, #tpu.memory_space<vmem>>) target(%dma_start3A_264 : memref<8x16x512xf32, #tpu.memory_space<hbm>>) target_semaphore(%arg6 : memref<!tpu.dma_semaphore, #tpu.memory_space<semaphore_mem>>)
    %add3A_265 = arith.constant 2 : i32
    %add3A_266 = arith.addi %mul3A_240, %add3A_265 : i32
    %dma_start3A_267 = arith.constant 0 : i32
    %dma_start3A_268 = arith.constant 0 : i32
    %dma_start3A_269 = arith.constant 0 : i32
    %dma_start3A_270 = tpu.memref_slice %arg3[%add3A_266, %dma_start3A_267, %dma_start3A_268, %dma_start3A_269] : memref<512x8x16x512xf32, #tpu.memory_space<hbm>> -> memref<1x8x16x512xf32, #tpu.memory_space<hbm>>
    %dma_start3A_271 = tpu.memref_squeeze %dma_start3A_270 : memref<1x8x16x512xf32, #tpu.memory_space<hbm>> -> memref<8x16x512xf32, #tpu.memory_space<hbm>>
    %dma_start3A_272 = arith.constant 0 : i32
    %dma_start3A_273 = arith.constant 0 : i32
    %dma_start3A_274 = arith.constant 0 : i32
    %dma_start3A_275 = tpu.memref_slice %arg3[%add3A_266, %dma_start3A_272, %dma_start3A_273, %dma_start3A_274] : memref<512x8x16x512xf32, #tpu.memory_space<hbm>> -> memref<1x8x16x512xf32, #tpu.memory_space<hbm>>
    %dma_start3A_276 = tpu.memref_squeeze %dma_start3A_275 : memref<1x8x16x512xf32, #tpu.memory_space<hbm>> -> memref<8x16x512xf32, #tpu.memory_space<hbm>>
    tpu.enqueue_dma source(%arg4 : memref<8x16x512xf32, #tpu.memory_space<vmem>>) target(%dma_start3A_276 : memref<8x16x512xf32, #tpu.memory_space<hbm>>) target_semaphore(%arg6 : memref<!tpu.dma_semaphore, #tpu.memory_space<semaphore_mem>>)
    %add3A_277 = arith.constant 3 : i32
    %add3A_278 = arith.addi %mul3A_240, %add3A_277 : i32
    %dma_start3A_279 = arith.constant 0 : i32
    %dma_start3A_280 = arith.constant 0 : i32
    %dma_start3A_281 = arith.constant 0 : i32
    %dma_start3A_282 = tpu.memref_slice %arg3[%add3A_278, %dma_start3A_279, %dma_start3A_280, %dma_start3A_281] : memref<512x8x16x512xf32, #tpu.memory_space<hbm>> -> memref<1x8x16x512xf32, #tpu.memory_space<hbm>>
    %dma_start3A_283 = tpu.memref_squeeze %dma_start3A_282 : memref<1x8x16x512xf32, #tpu.memory_space<hbm>> -> memref<8x16x512xf32, #tpu.memory_space<hbm>>
    %dma_start3A_284 = arith.constant 0 : i32
    %dma_start3A_285 = arith.constant 0 : i32
    %dma_start3A_286 = arith.constant 0 : i32
    %dma_start3A_287 = tpu.memref_slice %arg3[%add3A_278, %dma_start3A_284, %dma_start3A_285, %dma_start3A_286] : memref<512x8x16x512xf32, #tpu.memory_space<hbm>> -> memref<1x8x16x512xf32, #tpu.memory_space<hbm>>
    %dma_start3A_288 = tpu.memref_squeeze %dma_start3A_287 : memref<1x8x16x512xf32, #tpu.memory_space<hbm>> -> memref<8x16x512xf32, #tpu.memory_space<hbm>>
    tpu.enqueue_dma source(%arg4 : memref<8x16x512xf32, #tpu.memory_space<vmem>>) target(%dma_start3A_288 : memref<8x16x512xf32, #tpu.memory_space<hbm>>) target_semaphore(%arg6 : memref<!tpu.dma_semaphore, #tpu.memory_space<semaphore_mem>>)
    %add3A_289 = arith.constant 4 : i32
    %add3A_290 = arith.addi %mul3A_240, %add3A_289 : i32
    %dma_start3A_291 = arith.constant 0 : i32
    %dma_start3A_292 = arith.constant 0 : i32
    %dma_start3A_293 = arith.constant 0 : i32
    %dma_start3A_294 = tpu.memref_slice %arg3[%add3A_290, %dma_start3A_291, %dma_start3A_292, %dma_start3A_293] : memref<512x8x16x512xf32, #tpu.memory_space<hbm>> -> memref<1x8x16x512xf32, #tpu.memory_space<hbm>>
    %dma_start3A_295 = tpu.memref_squeeze %dma_start3A_294 : memref<1x8x16x512xf32, #tpu.memory_space<hbm>> -> memref<8x16x512xf32, #tpu.memory_space<hbm>>
    %dma_start3A_296 = arith.constant 0 : i32
    %dma_start3A_297 = arith.constant 0 : i32
    %dma_start3A_298 = arith.constant 0 : i32
    %dma_start3A_299 = tpu.memref_slice %arg3[%add3A_290, %dma_start3A_296, %dma_start3A_297, %dma_start3A_298] : memref<512x8x16x512xf32, #tpu.memory_space<hbm>> -> memref<1x8x16x512xf32, #tpu.memory_space<hbm>>
    %dma_start3A_300 = tpu.memref_squeeze %dma_start3A_299 : memref<1x8x16x512xf32, #tpu.memory_space<hbm>> -> memref<8x16x512xf32, #tpu.memory_space<hbm>>
    tpu.enqueue_dma source(%arg4 : memref<8x16x512xf32, #tpu.memory_space<vmem>>) target(%dma_start3A_300 : memref<8x16x512xf32, #tpu.memory_space<hbm>>) target_semaphore(%arg6 : memref<!tpu.dma_semaphore, #tpu.memory_space<semaphore_mem>>)
    %add3A_301 = arith.constant 5 : i32
    %add3A_302 = arith.addi %mul3A_240, %add3A_301 : i32
    %dma_start3A_303 = arith.constant 0 : i32
    %dma_start3A_304 = arith.constant 0 : i32
    %dma_start3A_305 = arith.constant 0 : i32
    %dma_start3A_306 = tpu.memref_slice %arg3[%add3A_302, %dma_start3A_303, %dma_start3A_304, %dma_start3A_305] : memref<512x8x16x512xf32, #tpu.memory_space<hbm>> -> memref<1x8x16x512xf32, #tpu.memory_space<hbm>>
    %dma_start3A_307 = tpu.memref_squeeze %dma_start3A_306 : memref<1x8x16x512xf32, #tpu.memory_space<hbm>> -> memref<8x16x512xf32, #tpu.memory_space<hbm>>
    %dma_start3A_308 = arith.constant 0 : i32
    %dma_start3A_309 = arith.constant 0 : i32
    %dma_start3A_310 = arith.constant 0 : i32
    %dma_start3A_311 = tpu.memref_slice %arg3[%add3A_302, %dma_start3A_308, %dma_start3A_309, %dma_start3A_310] : memref<512x8x16x512xf32, #tpu.memory_space<hbm>> -> memref<1x8x16x512xf32, #tpu.memory_space<hbm>>
    %dma_start3A_312 = tpu.memref_squeeze %dma_start3A_311 : memref<1x8x16x512xf32, #tpu.memory_space<hbm>> -> memref<8x16x512xf32, #tpu.memory_space<hbm>>
    tpu.enqueue_dma source(%arg4 : memref<8x16x512xf32, #tpu.memory_space<vmem>>) target(%dma_start3A_312 : memref<8x16x512xf32, #tpu.memory_space<hbm>>) target_semaphore(%arg6 : memref<!tpu.dma_semaphore, #tpu.memory_space<semaphore_mem>>)
    %add3A_313 = arith.constant 6 : i32
    %add3A_314 = arith.addi %mul3A_240, %add3A_313 : i32
    %dma_start3A_315 = arith.constant 0 : i32
    %dma_start3A_316 = arith.constant 0 : i32
    %dma_start3A_317 = arith.constant 0 : i32
    %dma_start3A_318 = tpu.memref_slice %arg3[%add3A_314, %dma_start3A_315, %dma_start3A_316, %dma_start3A_317] : memref<512x8x16x512xf32, #tpu.memory_space<hbm>> -> memref<1x8x16x512xf32, #tpu.memory_space<hbm>>
    %dma_start3A_319 = tpu.memref_squeeze %dma_start3A_318 : memref<1x8x16x512xf32, #tpu.memory_space<hbm>> -> memref<8x16x512xf32, #tpu.memory_space<hbm>>
    %dma_start3A_320 = arith.constant 0 : i32
    %dma_start3A_321 = arith.constant 0 : i32
    %dma_start3A_322 = arith.constant 0 : i32
    %dma_start3A_323 = tpu.memref_slice %arg3[%add3A_314, %dma_start3A_320, %dma_start3A_321, %dma_start3A_322] : memref<512x8x16x512xf32, #tpu.memory_space<hbm>> -> memref<1x8x16x512xf32, #tpu.memory_space<hbm>>
    %dma_start3A_324 = tpu.memref_squeeze %dma_start3A_323 : memref<1x8x16x512xf32, #tpu.memory_space<hbm>> -> memref<8x16x512xf32, #tpu.memory_space<hbm>>
    tpu.enqueue_dma source(%arg4 : memref<8x16x512xf32, #tpu.memory_space<vmem>>) target(%dma_start3A_324 : memref<8x16x512xf32, #tpu.memory_space<hbm>>) target_semaphore(%arg6 : memref<!tpu.dma_semaphore, #tpu.memory_space<semaphore_mem>>)
    %add3A_325 = arith.constant 7 : i32
    %add3A_326 = arith.addi %mul3A_240, %add3A_325 : i32
    %dma_start3A_327 = arith.constant 0 : i32
    %dma_start3A_328 = arith.constant 0 : i32
    %dma_start3A_329 = arith.constant 0 : i32
    %dma_start3A_330 = tpu.memref_slice %arg3[%add3A_326, %dma_start3A_327, %dma_start3A_328, %dma_start3A_329] : memref<512x8x16x512xf32, #tpu.memory_space<hbm>> -> memref<1x8x16x512xf32, #tpu.memory_space<hbm>>
    %dma_start3A_331 = tpu.memref_squeeze %dma_start3A_330 : memref<1x8x16x512xf32, #tpu.memory_space<hbm>> -> memref<8x16x512xf32, #tpu.memory_space<hbm>>
    %dma_start3A_332 = arith.constant 0 : i32
    %dma_start3A_333 = arith.constant 0 : i32
    %dma_start3A_334 = arith.constant 0 : i32
    %dma_start3A_335 = tpu.memref_slice %arg3[%add3A_326, %dma_start3A_332, %dma_start3A_333, %dma_start3A_334] : memref<512x8x16x512xf32, #tpu.memory_space<hbm>> -> memref<1x8x16x512xf32, #tpu.memory_space<hbm>>
    %dma_start3A_336 = tpu.memref_squeeze %dma_start3A_335 : memref<1x8x16x512xf32, #tpu.memory_space<hbm>> -> memref<8x16x512xf32, #tpu.memory_space<hbm>>
    tpu.enqueue_dma source(%arg4 : memref<8x16x512xf32, #tpu.memory_space<vmem>>) target(%dma_start3A_336 : memref<8x16x512xf32, #tpu.memory_space<hbm>>) target_semaphore(%arg6 : memref<!tpu.dma_semaphore, #tpu.memory_space<semaphore_mem>>)
    %add3A_337 = arith.constant 8 : i32
    %add3A_338 = arith.addi %mul3A_240, %add3A_337 : i32
    %dma_start3A_339 = arith.constant 0 : i32
    %dma_start3A_340 = arith.constant 0 : i32
    %dma_start3A_341 = arith.constant 0 : i32
    %dma_start3A_342 = tpu.memref_slice %arg3[%add3A_338, %dma_start3A_339, %dma_start3A_340, %dma_start3A_341] : memref<512x8x16x512xf32, #tpu.memory_space<hbm>> -> memref<1x8x16x512xf32, #tpu.memory_space<hbm>>
    %dma_start3A_343 = tpu.memref_squeeze %dma_start3A_342 : memref<1x8x16x512xf32, #tpu.memory_space<hbm>> -> memref<8x16x512xf32, #tpu.memory_space<hbm>>
    %dma_start3A_344 = arith.constant 0 : i32
    %dma_start3A_345 = arith.constant 0 : i32
    %dma_start3A_346 = arith.constant 0 : i32
    %dma_start3A_347 = tpu.memref_slice %arg3[%add3A_338, %dma_start3A_344, %dma_start3A_345, %dma_start3A_346] : memref<512x8x16x512xf32, #tpu.memory_space<hbm>> -> memref<1x8x16x512xf32, #tpu.memory_space<hbm>>
    %dma_start3A_348 = tpu.memref_squeeze %dma_start3A_347 : memref<1x8x16x512xf32, #tpu.memory_space<hbm>> -> memref<8x16x512xf32, #tpu.memory_space<hbm>>
    tpu.enqueue_dma source(%arg4 : memref<8x16x512xf32, #tpu.memory_space<vmem>>) target(%dma_start3A_348 : memref<8x16x512xf32, #tpu.memory_space<hbm>>) target_semaphore(%arg6 : memref<!tpu.dma_semaphore, #tpu.memory_space<semaphore_mem>>)
    %add3A_349 = arith.constant 9 : i32
    %add3A_350 = arith.addi %mul3A_240, %add3A_349 : i32
    %dma_start3A_351 = arith.constant 0 : i32
    %dma_start3A_352 = arith.constant 0 : i32
    %dma_start3A_353 = arith.constant 0 : i32
    %dma_start3A_354 = tpu.memref_slice %arg3[%add3A_350, %dma_start3A_351, %dma_start3A_352, %dma_start3A_353] : memref<512x8x16x512xf32, #tpu.memory_space<hbm>> -> memref<1x8x16x512xf32, #tpu.memory_space<hbm>>
    %dma_start3A_355 = tpu.memref_squeeze %dma_start3A_354 : memref<1x8x16x512xf32, #tpu.memory_space<hbm>> -> memref<8x16x512xf32, #tpu.memory_space<hbm>>
    %dma_start3A_356 = arith.constant 0 : i32
    %dma_start3A_357 = arith.constant 0 : i32
    %dma_start3A_358 = arith.constant 0 : i32
    %dma_start3A_359 = tpu.memref_slice %arg3[%add3A_350, %dma_start3A_356, %dma_start3A_357, %dma_start3A_358] : memref<512x8x16x512xf32, #tpu.memory_space<hbm>> -> memref<1x8x16x512xf32, #tpu.memory_space<hbm>>
    %dma_start3A_360 = tpu.memref_squeeze %dma_start3A_359 : memref<1x8x16x512xf32, #tpu.memory_space<hbm>> -> memref<8x16x512xf32, #tpu.memory_space<hbm>>
    tpu.enqueue_dma source(%arg4 : memref<8x16x512xf32, #tpu.memory_space<vmem>>) target(%dma_start3A_360 : memref<8x16x512xf32, #tpu.memory_space<hbm>>) target_semaphore(%arg6 : memref<!tpu.dma_semaphore, #tpu.memory_space<semaphore_mem>>)
    %add3A_361 = arith.constant 10 : i32
    %add3A_362 = arith.addi %mul3A_240, %add3A_361 : i32
    %dma_start3A_363 = arith.constant 0 : i32
    %dma_start3A_364 = arith.constant 0 : i32
    %dma_start3A_365 = arith.constant 0 : i32
    %dma_start3A_366 = tpu.memref_slice %arg3[%add3A_362, %dma_start3A_363, %dma_start3A_364, %dma_start3A_365] : memref<512x8x16x512xf32, #tpu.memory_space<hbm>> -> memref<1x8x16x512xf32, #tpu.memory_space<hbm>>
    %dma_start3A_367 = tpu.memref_squeeze %dma_start3A_366 : memref<1x8x16x512xf32, #tpu.memory_space<hbm>> -> memref<8x16x512xf32, #tpu.memory_space<hbm>>
    %dma_start3A_368 = arith.constant 0 : i32
    %dma_start3A_369 = arith.constant 0 : i32
    %dma_start3A_370 = arith.constant 0 : i32
    %dma_start3A_371 = tpu.memref_slice %arg3[%add3A_362, %dma_start3A_368, %dma_start3A_369, %dma_start3A_370] : memref<512x8x16x512xf32, #tpu.memory_space<hbm>> -> memref<1x8x16x512xf32, #tpu.memory_space<hbm>>
    %dma_start3A_372 = tpu.memref_squeeze %dma_start3A_371 : memref<1x8x16x512xf32, #tpu.memory_space<hbm>> -> memref<8x16x512xf32, #tpu.memory_space<hbm>>
    tpu.enqueue_dma source(%arg4 : memref<8x16x512xf32, #tpu.memory_space<vmem>>) target(%dma_start3A_372 : memref<8x16x512xf32, #tpu.memory_space<hbm>>) target_semaphore(%arg6 : memref<!tpu.dma_semaphore, #tpu.memory_space<semaphore_mem>>)
    %add3A_373 = arith.constant 11 : i32
    %add3A_374 = arith.addi %mul3A_240, %add3A_373 : i32
    %dma_start3A_375 = arith.constant 0 : i32
    %dma_start3A_376 = arith.constant 0 : i32
    %dma_start3A_377 = arith.constant 0 : i32
    %dma_start3A_378 = tpu.memref_slice %arg3[%add3A_374, %dma_start3A_375, %dma_start3A_376, %dma_start3A_377] : memref<512x8x16x512xf32, #tpu.memory_space<hbm>> -> memref<1x8x16x512xf32, #tpu.memory_space<hbm>>
    %dma_start3A_379 = tpu.memref_squeeze %dma_start3A_378 : memref<1x8x16x512xf32, #tpu.memory_space<hbm>> -> memref<8x16x512xf32, #tpu.memory_space<hbm>>
    %dma_start3A_380 = arith.constant 0 : i32
    %dma_start3A_381 = arith.constant 0 : i32
    %dma_start3A_382 = arith.constant 0 : i32
    %dma_start3A_383 = tpu.memref_slice %arg3[%add3A_374, %dma_start3A_380, %dma_start3A_381, %dma_start3A_382] : memref<512x8x16x512xf32, #tpu.memory_space<hbm>> -> memref<1x8x16x512xf32, #tpu.memory_space<hbm>>
    %dma_start3A_384 = tpu.memref_squeeze %dma_start3A_383 : memref<1x8x16x512xf32, #tpu.memory_space<hbm>> -> memref<8x16x512xf32, #tpu.memory_space<hbm>>
    tpu.enqueue_dma source(%arg4 : memref<8x16x512xf32, #tpu.memory_space<vmem>>) target(%dma_start3A_384 : memref<8x16x512xf32, #tpu.memory_space<hbm>>) target_semaphore(%arg6 : memref<!tpu.dma_semaphore, #tpu.memory_space<semaphore_mem>>)
    %add3A_385 = arith.constant 12 : i32
    %add3A_386 = arith.addi %mul3A_240, %add3A_385 : i32
    %dma_start3A_387 = arith.constant 0 : i32
    %dma_start3A_388 = arith.constant 0 : i32
    %dma_start3A_389 = arith.constant 0 : i32
    %dma_start3A_390 = tpu.memref_slice %arg3[%add3A_386, %dma_start3A_387, %dma_start3A_388, %dma_start3A_389] : memref<512x8x16x512xf32, #tpu.memory_space<hbm>> -> memref<1x8x16x512xf32, #tpu.memory_space<hbm>>
    %dma_start3A_391 = tpu.memref_squeeze %dma_start3A_390 : memref<1x8x16x512xf32, #tpu.memory_space<hbm>> -> memref<8x16x512xf32, #tpu.memory_space<hbm>>
    %dma_start3A_392 = arith.constant 0 : i32
    %dma_start3A_393 = arith.constant 0 : i32
    %dma_start3A_394 = arith.constant 0 : i32
    %dma_start3A_395 = tpu.memref_slice %arg3[%add3A_386, %dma_start3A_392, %dma_start3A_393, %dma_start3A_394] : memref<512x8x16x512xf32, #tpu.memory_space<hbm>> -> memref<1x8x16x512xf32, #tpu.memory_space<hbm>>
    %dma_start3A_396 = tpu.memref_squeeze %dma_start3A_395 : memref<1x8x16x512xf32, #tpu.memory_space<hbm>> -> memref<8x16x512xf32, #tpu.memory_space<hbm>>
    tpu.enqueue_dma source(%arg4 : memref<8x16x512xf32, #tpu.memory_space<vmem>>) target(%dma_start3A_396 : memref<8x16x512xf32, #tpu.memory_space<hbm>>) target_semaphore(%arg6 : memref<!tpu.dma_semaphore, #tpu.memory_space<semaphore_mem>>)
    %add3A_397 = arith.constant 13 : i32
    %add3A_398 = arith.addi %mul3A_240, %add3A_397 : i32
    %dma_start3A_399 = arith.constant 0 : i32
    %dma_start3A_400 = arith.constant 0 : i32
    %dma_start3A_401 = arith.constant 0 : i32
    %dma_start3A_402 = tpu.memref_slice %arg3[%add3A_398, %dma_start3A_399, %dma_start3A_400, %dma_start3A_401] : memref<512x8x16x512xf32, #tpu.memory_space<hbm>> -> memref<1x8x16x512xf32, #tpu.memory_space<hbm>>
    %dma_start3A_403 = tpu.memref_squeeze %dma_start3A_402 : memref<1x8x16x512xf32, #tpu.memory_space<hbm>> -> memref<8x16x512xf32, #tpu.memory_space<hbm>>
    %dma_start3A_404 = arith.constant 0 : i32
    %dma_start3A_405 = arith.constant 0 : i32
    %dma_start3A_406 = arith.constant 0 : i32
    %dma_start3A_407 = tpu.memref_slice %arg3[%add3A_398, %dma_start3A_404, %dma_start3A_405, %dma_start3A_406] : memref<512x8x16x512xf32, #tpu.memory_space<hbm>> -> memref<1x8x16x512xf32, #tpu.memory_space<hbm>>
    %dma_start3A_408 = tpu.memref_squeeze %dma_start3A_407 : memref<1x8x16x512xf32, #tpu.memory_space<hbm>> -> memref<8x16x512xf32, #tpu.memory_space<hbm>>
    tpu.enqueue_dma source(%arg4 : memref<8x16x512xf32, #tpu.memory_space<vmem>>) target(%dma_start3A_408 : memref<8x16x512xf32, #tpu.memory_space<hbm>>) target_semaphore(%arg6 : memref<!tpu.dma_semaphore, #tpu.memory_space<semaphore_mem>>)
    %add3A_409 = arith.constant 14 : i32
    %add3A_410 = arith.addi %mul3A_240, %add3A_409 : i32
    %dma_start3A_411 = arith.constant 0 : i32
    %dma_start3A_412 = arith.constant 0 : i32
    %dma_start3A_413 = arith.constant 0 : i32
    %dma_start3A_414 = tpu.memref_slice %arg3[%add3A_410, %dma_start3A_411, %dma_start3A_412, %dma_start3A_413] : memref<512x8x16x512xf32, #tpu.memory_space<hbm>> -> memref<1x8x16x512xf32, #tpu.memory_space<hbm>>
    %dma_start3A_415 = tpu.memref_squeeze %dma_start3A_414 : memref<1x8x16x512xf32, #tpu.memory_space<hbm>> -> memref<8x16x512xf32, #tpu.memory_space<hbm>>
    %dma_start3A_416 = arith.constant 0 : i32
    %dma_start3A_417 = arith.constant 0 : i32
    %dma_start3A_418 = arith.constant 0 : i32
    %dma_start3A_419 = tpu.memref_slice %arg3[%add3A_410, %dma_start3A_416, %dma_start3A_417, %dma_start3A_418] : memref<512x8x16x512xf32, #tpu.memory_space<hbm>> -> memref<1x8x16x512xf32, #tpu.memory_space<hbm>>
    %dma_start3A_420 = tpu.memref_squeeze %dma_start3A_419 : memref<1x8x16x512xf32, #tpu.memory_space<hbm>> -> memref<8x16x512xf32, #tpu.memory_space<hbm>>
    tpu.enqueue_dma source(%arg4 : memref<8x16x512xf32, #tpu.memory_space<vmem>>) target(%dma_start3A_420 : memref<8x16x512xf32, #tpu.memory_space<hbm>>) target_semaphore(%arg6 : memref<!tpu.dma_semaphore, #tpu.memory_space<semaphore_mem>>)
    %add3A_421 = arith.constant 15 : i32
    %add3A_422 = arith.addi %mul3A_240, %add3A_421 : i32
    %dma_start3A_423 = arith.constant 0 : i32
    %dma_start3A_424 = arith.constant 0 : i32
    %dma_start3A_425 = arith.constant 0 : i32
    %dma_start3A_426 = tpu.memref_slice %arg3[%add3A_422, %dma_start3A_423, %dma_start3A_424, %dma_start3A_425] : memref<512x8x16x512xf32, #tpu.memory_space<hbm>> -> memref<1x8x16x512xf32, #tpu.memory_space<hbm>>
    %dma_start3A_427 = tpu.memref_squeeze %dma_start3A_426 : memref<1x8x16x512xf32, #tpu.memory_space<hbm>> -> memref<8x16x512xf32, #tpu.memory_space<hbm>>
    %dma_start3A_428 = arith.constant 0 : i32
    %dma_start3A_429 = arith.constant 0 : i32
    %dma_start3A_430 = arith.constant 0 : i32
    %dma_start3A_431 = tpu.memref_slice %arg3[%add3A_422, %dma_start3A_428, %dma_start3A_429, %dma_start3A_430] : memref<512x8x16x512xf32, #tpu.memory_space<hbm>> -> memref<1x8x16x512xf32, #tpu.memory_space<hbm>>
    %dma_start3A_432 = tpu.memref_squeeze %dma_start3A_431 : memref<1x8x16x512xf32, #tpu.memory_space<hbm>> -> memref<8x16x512xf32, #tpu.memory_space<hbm>>
    tpu.enqueue_dma source(%arg4 : memref<8x16x512xf32, #tpu.memory_space<vmem>>) target(%dma_start3A_432 : memref<8x16x512xf32, #tpu.memory_space<hbm>>) target_semaphore(%arg6 : memref<!tpu.dma_semaphore, #tpu.memory_space<semaphore_mem>>)
    %dma_wait3A_433 = arith.constant 0 : i32
    %dma_wait3A_434 = arith.constant 0 : i32
    %dma_wait3A_435 = arith.constant 0 : i32
    %dma_wait3A_436 = tpu.memref_slice %arg3[%add3A_242, %dma_wait3A_433, %dma_wait3A_434, %dma_wait3A_435] : memref<512x8x16x512xf32, #tpu.memory_space<hbm>> -> memref<1x8x16x512xf32, #tpu.memory_space<hbm>>
    %dma_wait3A_437 = tpu.memref_squeeze %dma_wait3A_436 : memref<1x8x16x512xf32, #tpu.memory_space<hbm>> -> memref<8x16x512xf32, #tpu.memory_space<hbm>>
    %dma_wait3A_438 = arith.constant 0 : i32
    %dma_wait3A_439 = arith.constant 0 : i32
    %dma_wait3A_440 = arith.constant 0 : i32
    %dma_wait3A_441 = tpu.memref_slice %arg3[%add3A_242, %dma_wait3A_438, %dma_wait3A_439, %dma_wait3A_440] : memref<512x8x16x512xf32, #tpu.memory_space<hbm>> -> memref<1x8x16x512xf32, #tpu.memory_space<hbm>>
    %dma_wait3A_442 = tpu.memref_squeeze %dma_wait3A_441 : memref<1x8x16x512xf32, #tpu.memory_space<hbm>> -> memref<8x16x512xf32, #tpu.memory_space<hbm>>
    tpu.wait_dma2 semaphore(%arg6 : memref<!tpu.dma_semaphore, #tpu.memory_space<semaphore_mem>>) src(%arg4 : memref<8x16x512xf32, #tpu.memory_space<vmem>>) dst(%dma_wait3A_442 : memref<8x16x512xf32, #tpu.memory_space<hbm>>)
    %dma_wait3A_443 = arith.constant 0 : i32
    %dma_wait3A_444 = arith.constant 0 : i32
    %dma_wait3A_445 = arith.constant 0 : i32
    %dma_wait3A_446 = tpu.memref_slice %arg3[%add3A_254, %dma_wait3A_443, %dma_wait3A_444, %dma_wait3A_445] : memref<512x8x16x512xf32, #tpu.memory_space<hbm>> -> memref<1x8x16x512xf32, #tpu.memory_space<hbm>>
    %dma_wait3A_447 = tpu.memref_squeeze %dma_wait3A_446 : memref<1x8x16x512xf32, #tpu.memory_space<hbm>> -> memref<8x16x512xf32, #tpu.memory_space<hbm>>
    %dma_wait3A_448 = arith.constant 0 : i32
    %dma_wait3A_449 = arith.constant 0 : i32
    %dma_wait3A_450 = arith.constant 0 : i32
    %dma_wait3A_451 = tpu.memref_slice %arg3[%add3A_254, %dma_wait3A_448, %dma_wait3A_449, %dma_wait3A_450] : memref<512x8x16x512xf32, #tpu.memory_space<hbm>> -> memref<1x8x16x512xf32, #tpu.memory_space<hbm>>
    %dma_wait3A_452 = tpu.memref_squeeze %dma_wait3A_451 : memref<1x8x16x512xf32, #tpu.memory_space<hbm>> -> memref<8x16x512xf32, #tpu.memory_space<hbm>>
    tpu.wait_dma2 semaphore(%arg6 : memref<!tpu.dma_semaphore, #tpu.memory_space<semaphore_mem>>) src(%arg4 : memref<8x16x512xf32, #tpu.memory_space<vmem>>) dst(%dma_wait3A_452 : memref<8x16x512xf32, #tpu.memory_space<hbm>>)
    %dma_wait3A_453 = arith.constant 0 : i32
    %dma_wait3A_454 = arith.constant 0 : i32
    %dma_wait3A_455 = arith.constant 0 : i32
    %dma_wait3A_456 = tpu.memref_slice %arg3[%add3A_266, %dma_wait3A_453, %dma_wait3A_454, %dma_wait3A_455] : memref<512x8x16x512xf32, #tpu.memory_space<hbm>> -> memref<1x8x16x512xf32, #tpu.memory_space<hbm>>
    %dma_wait3A_457 = tpu.memref_squeeze %dma_wait3A_456 : memref<1x8x16x512xf32, #tpu.memory_space<hbm>> -> memref<8x16x512xf32, #tpu.memory_space<hbm>>
    %dma_wait3A_458 = arith.constant 0 : i32
    %dma_wait3A_459 = arith.constant 0 : i32
    %dma_wait3A_460 = arith.constant 0 : i32
    %dma_wait3A_461 = tpu.memref_slice %arg3[%add3A_266, %dma_wait3A_458, %dma_wait3A_459, %dma_wait3A_460] : memref<512x8x16x512xf32, #tpu.memory_space<hbm>> -> memref<1x8x16x512xf32, #tpu.memory_space<hbm>>
    %dma_wait3A_462 = tpu.memref_squeeze %dma_wait3A_461 : memref<1x8x16x512xf32, #tpu.memory_space<hbm>> -> memref<8x16x512xf32, #tpu.memory_space<hbm>>
    tpu.wait_dma2 semaphore(%arg6 : memref<!tpu.dma_semaphore, #tpu.memory_space<semaphore_mem>>) src(%arg4 : memref<8x16x512xf32, #tpu.memory_space<vmem>>) dst(%dma_wait3A_462 : memref<8x16x512xf32, #tpu.memory_space<hbm>>)
    %dma_wait3A_463 = arith.constant 0 : i32
    %dma_wait3A_464 = arith.constant 0 : i32
    %dma_wait3A_465 = arith.constant 0 : i32
    %dma_wait3A_466 = tpu.memref_slice %arg3[%add3A_278, %dma_wait3A_463, %dma_wait3A_464, %dma_wait3A_465] : memref<512x8x16x512xf32, #tpu.memory_space<hbm>> -> memref<1x8x16x512xf32, #tpu.memory_space<hbm>>
    %dma_wait3A_467 = tpu.memref_squeeze %dma_wait3A_466 : memref<1x8x16x512xf32, #tpu.memory_space<hbm>> -> memref<8x16x512xf32, #tpu.memory_space<hbm>>
    %dma_wait3A_468 = arith.constant 0 : i32
    %dma_wait3A_469 = arith.constant 0 : i32
    %dma_wait3A_470 = arith.constant 0 : i32
    %dma_wait3A_471 = tpu.memref_slice %arg3[%add3A_278, %dma_wait3A_468, %dma_wait3A_469, %dma_wait3A_470] : memref<512x8x16x512xf32, #tpu.memory_space<hbm>> -> memref<1x8x16x512xf32, #tpu.memory_space<hbm>>
    %dma_wait3A_472 = tpu.memref_squeeze %dma_wait3A_471 : memref<1x8x16x512xf32, #tpu.memory_space<hbm>> -> memref<8x16x512xf32, #tpu.memory_space<hbm>>
    tpu.wait_dma2 semaphore(%arg6 : memref<!tpu.dma_semaphore, #tpu.memory_space<semaphore_mem>>) src(%arg4 : memref<8x16x512xf32, #tpu.memory_space<vmem>>) dst(%dma_wait3A_472 : memref<8x16x512xf32, #tpu.memory_space<hbm>>)
    %dma_wait3A_473 = arith.constant 0 : i32
    %dma_wait3A_474 = arith.constant 0 : i32
    %dma_wait3A_475 = arith.constant 0 : i32
    %dma_wait3A_476 = tpu.memref_slice %arg3[%add3A_290, %dma_wait3A_473, %dma_wait3A_474, %dma_wait3A_475] : memref<512x8x16x512xf32, #tpu.memory_space<hbm>> -> memref<1x8x16x512xf32, #tpu.memory_space<hbm>>
    %dma_wait3A_477 = tpu.memref_squeeze %dma_wait3A_476 : memref<1x8x16x512xf32, #tpu.memory_space<hbm>> -> memref<8x16x512xf32, #tpu.memory_space<hbm>>
    %dma_wait3A_478 = arith.constant 0 : i32
    %dma_wait3A_479 = arith.constant 0 : i32
    %dma_wait3A_480 = arith.constant 0 : i32
    %dma_wait3A_481 = tpu.memref_slice %arg3[%add3A_290, %dma_wait3A_478, %dma_wait3A_479, %dma_wait3A_480] : memref<512x8x16x512xf32, #tpu.memory_space<hbm>> -> memref<1x8x16x512xf32, #tpu.memory_space<hbm>>
    %dma_wait3A_482 = tpu.memref_squeeze %dma_wait3A_481 : memref<1x8x16x512xf32, #tpu.memory_space<hbm>> -> memref<8x16x512xf32, #tpu.memory_space<hbm>>
    tpu.wait_dma2 semaphore(%arg6 : memref<!tpu.dma_semaphore, #tpu.memory_space<semaphore_mem>>) src(%arg4 : memref<8x16x512xf32, #tpu.memory_space<vmem>>) dst(%dma_wait3A_482 : memref<8x16x512xf32, #tpu.memory_space<hbm>>)
    %dma_wait3A_483 = arith.constant 0 : i32
    %dma_wait3A_484 = arith.constant 0 : i32
    %dma_wait3A_485 = arith.constant 0 : i32
    %dma_wait3A_486 = tpu.memref_slice %arg3[%add3A_302, %dma_wait3A_483, %dma_wait3A_484, %dma_wait3A_485] : memref<512x8x16x512xf32, #tpu.memory_space<hbm>> -> memref<1x8x16x512xf32, #tpu.memory_space<hbm>>
    %dma_wait3A_487 = tpu.memref_squeeze %dma_wait3A_486 : memref<1x8x16x512xf32, #tpu.memory_space<hbm>> -> memref<8x16x512xf32, #tpu.memory_space<hbm>>
    %dma_wait3A_488 = arith.constant 0 : i32
    %dma_wait3A_489 = arith.constant 0 : i32
    %dma_wait3A_490 = arith.constant 0 : i32
    %dma_wait3A_491 = tpu.memref_slice %arg3[%add3A_302, %dma_wait3A_488, %dma_wait3A_489, %dma_wait3A_490] : memref<512x8x16x512xf32, #tpu.memory_space<hbm>> -> memref<1x8x16x512xf32, #tpu.memory_space<hbm>>
    %dma_wait3A_492 = tpu.memref_squeeze %dma_wait3A_491 : memref<1x8x16x512xf32, #tpu.memory_space<hbm>> -> memref<8x16x512xf32, #tpu.memory_space<hbm>>
    tpu.wait_dma2 semaphore(%arg6 : memref<!tpu.dma_semaphore, #tpu.memory_space<semaphore_mem>>) src(%arg4 : memref<8x16x512xf32, #tpu.memory_space<vmem>>) dst(%dma_wait3A_492 : memref<8x16x512xf32, #tpu.memory_space<hbm>>)
    %dma_wait3A_493 = arith.constant 0 : i32
    %dma_wait3A_494 = arith.constant 0 : i32
    %dma_wait3A_495 = arith.constant 0 : i32
    %dma_wait3A_496 = tpu.memref_slice %arg3[%add3A_314, %dma_wait3A_493, %dma_wait3A_494, %dma_wait3A_495] : memref<512x8x16x512xf32, #tpu.memory_space<hbm>> -> memref<1x8x16x512xf32, #tpu.memory_space<hbm>>
    %dma_wait3A_497 = tpu.memref_squeeze %dma_wait3A_496 : memref<1x8x16x512xf32, #tpu.memory_space<hbm>> -> memref<8x16x512xf32, #tpu.memory_space<hbm>>
    %dma_wait3A_498 = arith.constant 0 : i32
    %dma_wait3A_499 = arith.constant 0 : i32
    %dma_wait3A_500 = arith.constant 0 : i32
    %dma_wait3A_501 = tpu.memref_slice %arg3[%add3A_314, %dma_wait3A_498, %dma_wait3A_499, %dma_wait3A_500] : memref<512x8x16x512xf32, #tpu.memory_space<hbm>> -> memref<1x8x16x512xf32, #tpu.memory_space<hbm>>
    %dma_wait3A_502 = tpu.memref_squeeze %dma_wait3A_501 : memref<1x8x16x512xf32, #tpu.memory_space<hbm>> -> memref<8x16x512xf32, #tpu.memory_space<hbm>>
    tpu.wait_dma2 semaphore(%arg6 : memref<!tpu.dma_semaphore, #tpu.memory_space<semaphore_mem>>) src(%arg4 : memref<8x16x512xf32, #tpu.memory_space<vmem>>) dst(%dma_wait3A_502 : memref<8x16x512xf32, #tpu.memory_space<hbm>>)
    %dma_wait3A_503 = arith.constant 0 : i32
    %dma_wait3A_504 = arith.constant 0 : i32
    %dma_wait3A_505 = arith.constant 0 : i32
    %dma_wait3A_506 = tpu.memref_slice %arg3[%add3A_326, %dma_wait3A_503, %dma_wait3A_504, %dma_wait3A_505] : memref<512x8x16x512xf32, #tpu.memory_space<hbm>> -> memref<1x8x16x512xf32, #tpu.memory_space<hbm>>
    %dma_wait3A_507 = tpu.memref_squeeze %dma_wait3A_506 : memref<1x8x16x512xf32, #tpu.memory_space<hbm>> -> memref<8x16x512xf32, #tpu.memory_space<hbm>>
    %dma_wait3A_508 = arith.constant 0 : i32
    %dma_wait3A_509 = arith.constant 0 : i32
    %dma_wait3A_510 = arith.constant 0 : i32
    %dma_wait3A_511 = tpu.memref_slice %arg3[%add3A_326, %dma_wait3A_508, %dma_wait3A_509, %dma_wait3A_510] : memref<512x8x16x512xf32, #tpu.memory_space<hbm>> -> memref<1x8x16x512xf32, #tpu.memory_space<hbm>>
    %dma_wait3A_512 = tpu.memref_squeeze %dma_wait3A_511 : memref<1x8x16x512xf32, #tpu.memory_space<hbm>> -> memref<8x16x512xf32, #tpu.memory_space<hbm>>
    tpu.wait_dma2 semaphore(%arg6 : memref<!tpu.dma_semaphore, #tpu.memory_space<semaphore_mem>>) src(%arg4 : memref<8x16x512xf32, #tpu.memory_space<vmem>>) dst(%dma_wait3A_512 : memref<8x16x512xf32, #tpu.memory_space<hbm>>)
    %dma_wait3A_513 = arith.constant 0 : i32
    %dma_wait3A_514 = arith.constant 0 : i32
    %dma_wait3A_515 = arith.constant 0 : i32
    %dma_wait3A_516 = tpu.memref_slice %arg3[%add3A_338, %dma_wait3A_513, %dma_wait3A_514, %dma_wait3A_515] : memref<512x8x16x512xf32, #tpu.memory_space<hbm>> -> memref<1x8x16x512xf32, #tpu.memory_space<hbm>>
    %dma_wait3A_517 = tpu.memref_squeeze %dma_wait3A_516 : memref<1x8x16x512xf32, #tpu.memory_space<hbm>> -> memref<8x16x512xf32, #tpu.memory_space<hbm>>
    %dma_wait3A_518 = arith.constant 0 : i32
    %dma_wait3A_519 = arith.constant 0 : i32
    %dma_wait3A_520 = arith.constant 0 : i32
    %dma_wait3A_521 = tpu.memref_slice %arg3[%add3A_338, %dma_wait3A_518, %dma_wait3A_519, %dma_wait3A_520] : memref<512x8x16x512xf32, #tpu.memory_space<hbm>> -> memref<1x8x16x512xf32, #tpu.memory_space<hbm>>
    %dma_wait3A_522 = tpu.memref_squeeze %dma_wait3A_521 : memref<1x8x16x512xf32, #tpu.memory_space<hbm>> -> memref<8x16x512xf32, #tpu.memory_space<hbm>>
    tpu.wait_dma2 semaphore(%arg6 : memref<!tpu.dma_semaphore, #tpu.memory_space<semaphore_mem>>) src(%arg4 : memref<8x16x512xf32, #tpu.memory_space<vmem>>) dst(%dma_wait3A_522 : memref<8x16x512xf32, #tpu.memory_space<hbm>>)
    %dma_wait3A_523 = arith.constant 0 : i32
    %dma_wait3A_524 = arith.constant 0 : i32
    %dma_wait3A_525 = arith.constant 0 : i32
    %dma_wait3A_526 = tpu.memref_slice %arg3[%add3A_350, %dma_wait3A_523, %dma_wait3A_524, %dma_wait3A_525] : memref<512x8x16x512xf32, #tpu.memory_space<hbm>> -> memref<1x8x16x512xf32, #tpu.memory_space<hbm>>
    %dma_wait3A_527 = tpu.memref_squeeze %dma_wait3A_526 : memref<1x8x16x512xf32, #tpu.memory_space<hbm>> -> memref<8x16x512xf32, #tpu.memory_space<hbm>>
    %dma_wait3A_528 = arith.constant 0 : i32
    %dma_wait3A_529 = arith.constant 0 : i32
    %dma_wait3A_530 = arith.constant 0 : i32
    %dma_wait3A_531 = tpu.memref_slice %arg3[%add3A_350, %dma_wait3A_528, %dma_wait3A_529, %dma_wait3A_530] : memref<512x8x16x512xf32, #tpu.memory_space<hbm>> -> memref<1x8x16x512xf32, #tpu.memory_space<hbm>>
    %dma_wait3A_532 = tpu.memref_squeeze %dma_wait3A_531 : memref<1x8x16x512xf32, #tpu.memory_space<hbm>> -> memref<8x16x512xf32, #tpu.memory_space<hbm>>
    tpu.wait_dma2 semaphore(%arg6 : memref<!tpu.dma_semaphore, #tpu.memory_space<semaphore_mem>>) src(%arg4 : memref<8x16x512xf32, #tpu.memory_space<vmem>>) dst(%dma_wait3A_532 : memref<8x16x512xf32, #tpu.memory_space<hbm>>)
    %dma_wait3A_533 = arith.constant 0 : i32
    %dma_wait3A_534 = arith.constant 0 : i32
    %dma_wait3A_535 = arith.constant 0 : i32
    %dma_wait3A_536 = tpu.memref_slice %arg3[%add3A_362, %dma_wait3A_533, %dma_wait3A_534, %dma_wait3A_535] : memref<512x8x16x512xf32, #tpu.memory_space<hbm>> -> memref<1x8x16x512xf32, #tpu.memory_space<hbm>>
    %dma_wait3A_537 = tpu.memref_squeeze %dma_wait3A_536 : memref<1x8x16x512xf32, #tpu.memory_space<hbm>> -> memref<8x16x512xf32, #tpu.memory_space<hbm>>
    %dma_wait3A_538 = arith.constant 0 : i32
    %dma_wait3A_539 = arith.constant 0 : i32
    %dma_wait3A_540 = arith.constant 0 : i32
    %dma_wait3A_541 = tpu.memref_slice %arg3[%add3A_362, %dma_wait3A_538, %dma_wait3A_539, %dma_wait3A_540] : memref<512x8x16x512xf32, #tpu.memory_space<hbm>> -> memref<1x8x16x512xf32, #tpu.memory_space<hbm>>
    %dma_wait3A_542 = tpu.memref_squeeze %dma_wait3A_541 : memref<1x8x16x512xf32, #tpu.memory_space<hbm>> -> memref<8x16x512xf32, #tpu.memory_space<hbm>>
    tpu.wait_dma2 semaphore(%arg6 : memref<!tpu.dma_semaphore, #tpu.memory_space<semaphore_mem>>) src(%arg4 : memref<8x16x512xf32, #tpu.memory_space<vmem>>) dst(%dma_wait3A_542 : memref<8x16x512xf32, #tpu.memory_space<hbm>>)
    %dma_wait3A_543 = arith.constant 0 : i32
    %dma_wait3A_544 = arith.constant 0 : i32
    %dma_wait3A_545 = arith.constant 0 : i32
    %dma_wait3A_546 = tpu.memref_slice %arg3[%add3A_374, %dma_wait3A_543, %dma_wait3A_544, %dma_wait3A_545] : memref<512x8x16x512xf32, #tpu.memory_space<hbm>> -> memref<1x8x16x512xf32, #tpu.memory_space<hbm>>
    %dma_wait3A_547 = tpu.memref_squeeze %dma_wait3A_546 : memref<1x8x16x512xf32, #tpu.memory_space<hbm>> -> memref<8x16x512xf32, #tpu.memory_space<hbm>>
    %dma_wait3A_548 = arith.constant 0 : i32
    %dma_wait3A_549 = arith.constant 0 : i32
    %dma_wait3A_550 = arith.constant 0 : i32
    %dma_wait3A_551 = tpu.memref_slice %arg3[%add3A_374, %dma_wait3A_548, %dma_wait3A_549, %dma_wait3A_550] : memref<512x8x16x512xf32, #tpu.memory_space<hbm>> -> memref<1x8x16x512xf32, #tpu.memory_space<hbm>>
    %dma_wait3A_552 = tpu.memref_squeeze %dma_wait3A_551 : memref<1x8x16x512xf32, #tpu.memory_space<hbm>> -> memref<8x16x512xf32, #tpu.memory_space<hbm>>
    tpu.wait_dma2 semaphore(%arg6 : memref<!tpu.dma_semaphore, #tpu.memory_space<semaphore_mem>>) src(%arg4 : memref<8x16x512xf32, #tpu.memory_space<vmem>>) dst(%dma_wait3A_552 : memref<8x16x512xf32, #tpu.memory_space<hbm>>)
    %dma_wait3A_553 = arith.constant 0 : i32
    %dma_wait3A_554 = arith.constant 0 : i32
    %dma_wait3A_555 = arith.constant 0 : i32
    %dma_wait3A_556 = tpu.memref_slice %arg3[%add3A_386, %dma_wait3A_553, %dma_wait3A_554, %dma_wait3A_555] : memref<512x8x16x512xf32, #tpu.memory_space<hbm>> -> memref<1x8x16x512xf32, #tpu.memory_space<hbm>>
    %dma_wait3A_557 = tpu.memref_squeeze %dma_wait3A_556 : memref<1x8x16x512xf32, #tpu.memory_space<hbm>> -> memref<8x16x512xf32, #tpu.memory_space<hbm>>
    %dma_wait3A_558 = arith.constant 0 : i32
    %dma_wait3A_559 = arith.constant 0 : i32
    %dma_wait3A_560 = arith.constant 0 : i32
    %dma_wait3A_561 = tpu.memref_slice %arg3[%add3A_386, %dma_wait3A_558, %dma_wait3A_559, %dma_wait3A_560] : memref<512x8x16x512xf32, #tpu.memory_space<hbm>> -> memref<1x8x16x512xf32, #tpu.memory_space<hbm>>
    %dma_wait3A_562 = tpu.memref_squeeze %dma_wait3A_561 : memref<1x8x16x512xf32, #tpu.memory_space<hbm>> -> memref<8x16x512xf32, #tpu.memory_space<hbm>>
    tpu.wait_dma2 semaphore(%arg6 : memref<!tpu.dma_semaphore, #tpu.memory_space<semaphore_mem>>) src(%arg4 : memref<8x16x512xf32, #tpu.memory_space<vmem>>) dst(%dma_wait3A_562 : memref<8x16x512xf32, #tpu.memory_space<hbm>>)
    %dma_wait3A_563 = arith.constant 0 : i32
    %dma_wait3A_564 = arith.constant 0 : i32
    %dma_wait3A_565 = arith.constant 0 : i32
    %dma_wait3A_566 = tpu.memref_slice %arg3[%add3A_398, %dma_wait3A_563, %dma_wait3A_564, %dma_wait3A_565] : memref<512x8x16x512xf32, #tpu.memory_space<hbm>> -> memref<1x8x16x512xf32, #tpu.memory_space<hbm>>
    %dma_wait3A_567 = tpu.memref_squeeze %dma_wait3A_566 : memref<1x8x16x512xf32, #tpu.memory_space<hbm>> -> memref<8x16x512xf32, #tpu.memory_space<hbm>>
    %dma_wait3A_568 = arith.constant 0 : i32
    %dma_wait3A_569 = arith.constant 0 : i32
    %dma_wait3A_570 = arith.constant 0 : i32
    %dma_wait3A_571 = tpu.memref_slice %arg3[%add3A_398, %dma_wait3A_568, %dma_wait3A_569, %dma_wait3A_570] : memref<512x8x16x512xf32, #tpu.memory_space<hbm>> -> memref<1x8x16x512xf32, #tpu.memory_space<hbm>>
    %dma_wait3A_572 = tpu.memref_squeeze %dma_wait3A_571 : memref<1x8x16x512xf32, #tpu.memory_space<hbm>> -> memref<8x16x512xf32, #tpu.memory_space<hbm>>
    tpu.wait_dma2 semaphore(%arg6 : memref<!tpu.dma_semaphore, #tpu.memory_space<semaphore_mem>>) src(%arg4 : memref<8x16x512xf32, #tpu.memory_space<vmem>>) dst(%dma_wait3A_572 : memref<8x16x512xf32, #tpu.memory_space<hbm>>)
    %dma_wait3A_573 = arith.constant 0 : i32
    %dma_wait3A_574 = arith.constant 0 : i32
    %dma_wait3A_575 = arith.constant 0 : i32
    %dma_wait3A_576 = tpu.memref_slice %arg3[%add3A_410, %dma_wait3A_573, %dma_wait3A_574, %dma_wait3A_575] : memref<512x8x16x512xf32, #tpu.memory_space<hbm>> -> memref<1x8x16x512xf32, #tpu.memory_space<hbm>>
    %dma_wait3A_577 = tpu.memref_squeeze %dma_wait3A_576 : memref<1x8x16x512xf32, #tpu.memory_space<hbm>> -> memref<8x16x512xf32, #tpu.memory_space<hbm>>
    %dma_wait3A_578 = arith.constant 0 : i32
    %dma_wait3A_579 = arith.constant 0 : i32
    %dma_wait3A_580 = arith.constant 0 : i32
    %dma_wait3A_581 = tpu.memref_slice %arg3[%add3A_410, %dma_wait3A_578, %dma_wait3A_579, %dma_wait3A_580] : memref<512x8x16x512xf32, #tpu.memory_space<hbm>> -> memref<1x8x16x512xf32, #tpu.memory_space<hbm>>
    %dma_wait3A_582 = tpu.memref_squeeze %dma_wait3A_581 : memref<1x8x16x512xf32, #tpu.memory_space<hbm>> -> memref<8x16x512xf32, #tpu.memory_space<hbm>>
    tpu.wait_dma2 semaphore(%arg6 : memref<!tpu.dma_semaphore, #tpu.memory_space<semaphore_mem>>) src(%arg4 : memref<8x16x512xf32, #tpu.memory_space<vmem>>) dst(%dma_wait3A_582 : memref<8x16x512xf32, #tpu.memory_space<hbm>>)
    %dma_wait3A_583 = arith.constant 0 : i32
    %dma_wait3A_584 = arith.constant 0 : i32
    %dma_wait3A_585 = arith.constant 0 : i32
    %dma_wait3A_586 = tpu.memref_slice %arg3[%add3A_422, %dma_wait3A_583, %dma_wait3A_584, %dma_wait3A_585] : memref<512x8x16x512xf32, #tpu.memory_space<hbm>> -> memref<1x8x16x512xf32, #tpu.memory_space<hbm>>
    %dma_wait3A_587 = tpu.memref_squeeze %dma_wait3A_586 : memref<1x8x16x512xf32, #tpu.memory_space<hbm>> -> memref<8x16x512xf32, #tpu.memory_space<hbm>>
    %dma_wait3A_588 = arith.constant 0 : i32
    %dma_wait3A_589 = arith.constant 0 : i32
    %dma_wait3A_590 = arith.constant 0 : i32
    %dma_wait3A_591 = tpu.memref_slice %arg3[%add3A_422, %dma_wait3A_588, %dma_wait3A_589, %dma_wait3A_590] : memref<512x8x16x512xf32, #tpu.memory_space<hbm>> -> memref<1x8x16x512xf32, #tpu.memory_space<hbm>>
    %dma_wait3A_592 = tpu.memref_squeeze %dma_wait3A_591 : memref<1x8x16x512xf32, #tpu.memory_space<hbm>> -> memref<8x16x512xf32, #tpu.memory_space<hbm>>
    tpu.wait_dma2 semaphore(%arg6 : memref<!tpu.dma_semaphore, #tpu.memory_space<semaphore_mem>>) src(%arg4 : memref<8x16x512xf32, #tpu.memory_space<vmem>>) dst(%dma_wait3A_592 : memref<8x16x512xf32, #tpu.memory_space<hbm>>)
    return
  }
}

</mosaic_0001>

<sc_bundles>
// kernel: kernel.3.cloned.1.call-start
scs
__scs_entry_jumppad:
0x0: {  	(pc) =	sbr.rel $0x88, $3  }
0x1: {  	(tag) =	ssettag $0x0;
	lr =	simm.s32 $0x1  }
0x2: {  	[smem:$0x3FA0] =	sst lr;
	_ =	strace $0xD0000000  }
0x3: {  	_ = 	snop  }
0x4: {  	_ = 	snop  }
0x5: {  	_ = 	snop  }
0x6: {  	_ = 	snop  }
0x7: {  	_ = 	snop  }
__scs_overlays_trampoline_lowered:
0x8: {  	[smem:$0x3FAF] =	sst s0  }
0x9: {  	[smem:$0x3FB0] =	sst s1  }
0xa: {  	[smem:$0x3FB1] =	sst s2  }
0xb: {  	[smem:$0x3FB2] =	sst s3  }
0xc: {  	[smem:$0x3FB3] =	sst s4  }
0xd: {  	[smem:$0x3FB4] =	sst s5  }
0xe: {  	[smem:$0x3FB5] =	sst s6  }
0xf: {  	[smem:$0x3FB6] =	sst s7  }
0x10: {  	[smem:$0x3FB7] =	sst s8  }
0x11: {  	[smem:$0x3FB8] =	sst s9;
	s0 =	simm.s32 @!p0 $0x0  }
0x12: {  	s1 =	sld [smem:$0x3F9E];
	s0 =	simm.s32 @p0 $0x1  }
0x13: {  	[smem:$0x3FB9] =	sst s0;
	s0 =	simm.s32 @!p1 $0x0  }
0x14: {  	s2 =	sld [smem:$0x3F9D];
	s0 =	simm.s32 @p1 $0x1  }
0x15: {  	[smem:$0x3FBA] =	sst s0;
	s0 =	simm.s32 @!p2 $0x0  }
0x16: {  	s3 =	sld [smem:$0x3FDB];
	s0 =	simm.s32 @p2 $0x1  }
0x17: {  	s4 =	simm.s32 $0x1BF5;
	[smem:$0x3FBC] =	sst s0  }
0x18: {  	s0 =	sld [smem:$0x3F9F];
	_ =	swait.ge [sflag:s4], $0x0  }
0x19: {  	s7 =	sld [smem:$0x3FA0]  }
0x1a: {  	s8 =	sadd.s32 $0xFFFFE003, lr  }
0x1b: {  	s9 =	sadd.s32 $0xFFFFFEF7, lr;
	s5 =	simm.s32 $0xFFFFFFFF;
	p2 =	slt.u32 s8, $0xFFFFF086  }
0x1c: {  	p1 =	slt.u32 s9, $0xF7A;
	s5 =	simm.s32 @!p2 $0x0  }
0x1d: {  	s5 =	simm.s32 @p1 $0x1;
	p0 =	seq.s32 s7, s2  }
0x1e: {  	s7 =	smul.u32 @!p0 $0xF7A, s2;
	p2 =	seq.s32 @!p0 s5, $0x0  }
0x1f: {  	s9 =	smul.u32 $0xF7A, s1;
	s8 =	simm.s32 @!p0 $0x1BF5;
	p2 =	por !p2, p0  }
0x20: {  	[sflag:s8] =	ssyncset.s32 @!p0 $0xFFFFF086;
	s6 =	sadd.s32 @!p0 s3, s7;
	s7 =	simm.s32 @!p0 $0x108  }
0x21: {  	s3 =	sadd.s32 s3, s9;
	s6 =	sadd.s32 @!p0 $0x88, s6;
	s7 =	simm.s32 @p2 $0x1082  }
0x22: {  	[simem:s7], [sflag:s8] =	dma.local @!p0 [hbm:s6], $0xF7A  }
0x23: {  	s9 =	sor.u32 $0xD0000000, s2;
	s6 =	simm.s32 $0x108;
	_ =	swait.ge @!p0 [sflag:s8], $0x0  }
0x24: {  	s3 =	sadd.s32 $0x88, s3;
	s6 =	simm.s32 @!p1 $0x1082;
	[sflag:s4] =	ssyncset.s32 $0xFFFFF086  }
0x25: {  	[simem:s6], [sflag:s4] =	dma.local [hbm:s3], $0xF7A  }
0x26: {  	[smem:$0x3FA0] =	sst s1;
	(tag) =	ssettag s2;
	_ =	strace s9  }
0x27: {  	s1 =	sld [smem:$0x3FB0]  }
0x28: {  	s2 =	sld [smem:$0x3FB1]  }
0x29: {  	s4 =	sld [smem:$0x3FB3]  }
0x2a: {  	p0 =	seq.s32 s5, $0x0;
	s5 =	sld [smem:$0x3FB4]  }
0x2b: {  	s6 =	sld [smem:$0x3FB5]  }
0x2c: {  	s7 =	sld [smem:$0x3FB6]  }
0x2d: {  	s3 =	simm.s32 $0x108;
	s8 =	sld [smem:$0x3FB7]  }
0x2e: {  	s3 =	simm.s32 @!p0 $0x1082;
	s9 =	sld [smem:$0x3FB8]  }
0x2f: {  	lr =	sadd.s32 s0, s3;
	s0 =	sld [smem:$0x3FAF]  }
0x30: {  	s3 =	sld [smem:$0x3FB2]  }
0x31: {  	[smem:$0x3FBB] =	sst s10  }
0x32: {  	s10 =	sld [smem:$0x3FB9];
	_ =	sdelay $0x3  }
0x33: {  	p0 =	seq.s32 s10, $0x1;
	s10 =	sld [smem:$0x3FBB];
	_ =	sdelay $0x3  }
0x34: {  	[smem:$0x3FBB] =	sst s10  }
0x35: {  	s10 =	sld [smem:$0x3FBA];
	_ =	sdelay $0x3  }
0x36: {  	p1 =	seq.s32 s10, $0x1;
	s10 =	sld [smem:$0x3FBB];
	_ =	sdelay $0x3  }
0x37: {  	[smem:$0x3FBB] =	sst s10  }
0x38: {  	s10 =	sld [smem:$0x3FBC]  }
0x39: {  	_ = 	snop;
	(pc) =	sbr.ind lr, $3  }
0x3a: {  	_ = 	snop  }
0x3b: {  	_ = 	snop  }
0x3c: {  	p2 =	seq.s32 s10, $0x1;
	s10 =	sld [smem:$0x3FBB]  }
0x3d: {  	_ =	shalt  }
0x3e: {  	_ =	shalt  }
0x3f: {  	_ =	shalt  }
0x40: {  	_ =	shalt  }
0x41: {  	_ =	shalt  }
0x42: {  	_ =	shalt  }
0x43: {  	_ =	shalt  }
0x44: {  	_ =	shalt  }
0x45: {  	_ =	shalt  }
0x46: {  	_ =	shalt  }
0x47: {  	_ =	shalt  }
0x48: {  	_ =	shalt  }
0x49: {  	_ =	shalt  }
0x4a: {  	_ =	shalt  }
0x4b: {  	_ =	shalt  }
0x4c: {  	_ =	shalt  }
0x4d: {  	_ =	shalt  }
0x4e: {  	_ =	shalt  }
0x4f: {  	_ =	shalt  }
0x50: {  	_ =	shalt  }
0x51: {  	_ =	shalt  }
0x52: {  	_ =	shalt  }
0x53: {  	_ =	shalt  }
0x54: {  	_ =	shalt  }
0x55: {  	_ =	shalt  }
0x56: {  	_ =	shalt  }
0x57: {  	_ =	shalt  }
0x58: {  	_ =	shalt  }
0x59: {  	_ =	shalt  }
0x5a: {  	_ =	shalt  }
0x5b: {  	_ =	shalt  }
0x5c: {  	_ =	shalt  }
0x5d: {  	_ =	shalt  }
0x5e: {  	_ =	shalt  }
0x5f: {  	_ =	shalt  }
0x60: {  	_ =	shalt  }
0x61: {  	_ =	shalt  }
0x62: {  	_ =	shalt  }
0x63: {  	_ =	shalt  }
0x64: {  	_ =	shalt  }
0x65: {  	_ =	shalt  }
0x66: {  	_ =	shalt  }
0x67: {  	_ =	shalt  }
0x68: {  	_ =	shalt  }
0x69: {  	_ =	shalt  }
0x6a: {  	_ =	shalt  }
0x6b: {  	_ =	shalt  }
0x6c: {  	_ =	shalt  }
0x6d: {  	_ =	shalt  }
0x6e: {  	_ =	shalt  }
0x6f: {  	_ =	shalt  }
0x70: {  	_ =	shalt  }
0x71: {  	_ =	shalt  }
0x72: {  	_ =	shalt  }
0x73: {  	_ =	shalt  }
0x74: {  	_ =	shalt  }
0x75: {  	_ =	shalt  }
0x76: {  	_ =	shalt  }
0x77: {  	_ =	shalt  }
0x78: {  	_ =	shalt  }
0x79: {  	_ =	shalt  }
0x7a: {  	_ =	shalt  }
0x7b: {  	_ =	shalt  }
0x7c: {  	_ =	shalt  }
0x7d: {  	_ =	shalt  }
0x7e: {  	_ =	shalt  }
0x7f: {  	_ =	shalt  }
0x80: {  	_ =	shalt  }
0x81: {  	_ =	shalt  }
0x82: {  	_ =	shalt  }
0x83: {  	_ =	shalt  }
0x84: {  	_ =	shalt  }
0x85: {  	_ =	shalt  }
0x86: {  	_ =	shalt  }
0x87: {  	_ =	shalt  }
.Lfunc_end0:
.L_simem_size_0:
called_computation_lowered:
.L_overlay_start_0:
0x88: {  	s2 =	sld [smem:$0x3FD9]  }
0x89: {  	s3 =	sld [smem:$0x3FFE];
	_ =	sdelay $0x1  }
0x8a: {  	s1 =	srdreg.scid  }
0x8b: {  	s0 =	sand.u32 $0x1, s1  }
0x8c: {  	s18 =	sshll.u32 s0, $0xA;
	s2 =	sadd.s32 s3, s2  }
0x8d: {  	s2 =	sadd.s32 s2, s18  }
0x8e: {  	[smem:$0x3FC7] =	sst s2  }
0x8f: {  	_ = 	snop  }
0x90: {  	s2 =	sld [smem:$0x3FC9]  }
0x91: {  	s19 =	sld [smem:$0x3FD0];
	(tm) =	ssettm $0x1  }
0x92: {  	s4 =	sld [smem:$0x3FFB];
	_ =	sdelay $0x3  }
0x93: {  	_ =	strace s4  }
0x94: {  	s4 =	sld [smem:$0x3FFC];
	_ =	sdelay $0x3  }
0x95: {  	_ =	strace s4  }
0x96: {  	s4 =	sld [smem:$0x3FFD];
	_ =	sdelay $0x3  }
0x97: {  	_ =	strace s4  }
0x98: {  	_ =	strace $0x8FFFFFFF  }
0x99: {  	s20 =	sld [smem:$0x3FDB];
	_ =	sdelay $0x1  }
0x9a: {  	s5 =	simm.s32 $_scs_section_size  }
0x9b: {  	s6 =	simm.s32 $_size__tile_overlayer_lowered;
	s7 =	simm.s32 $_tile_overlayer_lowered  }
0x9c: {  	s23 =	simm.s32 $0x1BFF;
	s22 =	sshll.u32 s7, $0x1;
	s4 =	sadd.s32 s5, s20  }
0x9d: {  	s8 =	simm.s32 $0x0;
	s21 =	sshll.u32 s6, $0x1;
	s6 =	sadd.s32 s22, s4  }
0x9e: {  	[timem:s8], [sflag:s23] =	dma.local [hbm:s6], s21  }
0x9f: {  	_ =	swait.ge [sflag:s23], s21  }
0xa0: {  	s5 =	ssub.s32 $0x0, s21;
	[sflag:s23] =	ssyncset.done $0x0  }
0xa1: {  	[sflag:s23] =	ssyncadd.s32 s5;
	_ =	sdelay $0x1  }
0xa2: {  	s24 =	simm.s32 $0x1B8B  }
0xa3: {  	_ =	swait.ge [sflag:s24], $0x1  }
0xa4: {  	[sflag:s24] =	ssyncset.done $0x0  }
0xa5: {  	s25 =	simm.s32 $0x1B8E;
	[sflag:s24] =	ssyncadd.s32 $0xFFFFFFFF  }
0xa6: {  	s26 =	simm.s32 $execute0_lowered;
	[smem:$0x3FD2] =	sst s25  }
0xa7: {  	s5 =	sshll.u32 s26, $0x1;
	_ =	strace $0x80000046;
	[dreg:$0x1] =	wrdreg $0xFFFFFFFF  }
0xa8: {  	s28 =	simm.s32 $_size_execute0_lowered;
	s4 =	sadd.s32 s4, s5;
	[dreg:$0x0] =	wrdreg $0x0  }
0xa9: {  	s5 =	sshll.u32 s28, $0x1;
	[dreg:$0x2] =	wrdreg s4  }
0xaa: {  	[dreg:$0x3] =	wrdreg s5  }
0xab: {  	[dreg:$0x4] =	wrdreg $0xC0  }
0xac: {  	_ =	task [dreg:s8], $0x5FFFF  }
0xad: {  	[dreg:$0x1] =	wrdreg $0xFFFFFFFF  }
0xae: {  	[dreg:$0x0] =	wrdreg $0x60  }
0xaf: {  	[dreg:$0x2] =	wrdreg s2  }
0xb0: {  	[dreg:$0x3] =	wrdreg s19  }
0xb1: {  	[dreg:$0x4] =	wrdreg $0x9  }
0xb2: {  	_ =	task.clear_ibuf [dreg:s8], $0x5FFFF;
	_ =	strace $0x90000046  }
0xb3: {  	s29 =	simm.s32 $0x9;
	_ =	strace $0x80000048  }
0xb4: {  	_ =	swait.ge [sflag:s29], $0x1  }
0xb5: {  	[sflag:s29] =	ssyncadd.s32 $0xFFFFFFFF  }
0xb6: {  	_ =	strace $0x90000048  }
0xb7: {  	_ =	sfence  }
0xb8: {  	s30 =	sld [smem:$0x0];
	_ =	sdelay $0x2  }
0xb9: {  	s31 =	sshll.u32 s1, $0xD;
	s1 =	sshrl.u32 s1, $0x2  }
0xba: {  	s3 =	sand.u32 $0x4000, s31;
	s1 =	sadd.s32 s1, s30  }
0xbb: {  	s0 =	sor.u32 s3, s0;
	s1 =	sshll.u32 s1, $0x11  }
0xbc: {  	s0 =	sor.u32 s1, s0  }
0xbd: {  	s0 =	sadd.s32 $0x8F2B, s0  }
0xbe: {  	[sflag:s0] =	ssyncadd.remote.s32 $0x1  }
0xbf: {  	_ =	sfence.sel $0xFFFF  }
0xc0: {  	[dreg:$0x0] =	wrdreg $0xFFFFFFFF;
	(pc) =	sbr.abs _section_cstart, $3  }
0xc1: {  	[dreg:$0x1] =	wrdreg $0xFFFFFFFF  }
0xc2: {  	_ =	task.clear_ibuf [dreg:s8], $0x2FFFF;
	_ =	strace $0x9FFFFFFF  }
0xc3: {  	(tm) =	ssettm $0x7FFFFFFF  }
tec
execute0_lowered:
.L_overlay_start_1:
0x0: {  	(tag) =	ssettag $0x1  }
0x1: {  	s1 =	rddreg [dreg:$0x0]  }
0x2: {  	s12 =	rddreg [dreg:$0x1];
	s2 =	simm.s32 $0x0  }
0x3: {  	[smem:$0x7FF] =	sst s2  }
0x4: {  	s0 =	rddreg [dreg:$0x2];
	_ =	strace $0x80000047  }
0x5: {  	[tilespmem:s2], [sflag:$0x1] =	stream.linear.gather [hbm4b:s1+s2], $0x2000, $0x38;
	[tilespmem:$0x10000] =	vst v63  }
0x6: {  	s3 =	simm.s32 $0x2000  }
0x7: {  	[tilespmem:s3], [sflag:$0x1] =	stream.linear.gather [hbm4b:s1+s2], $0x2000, $0x38;
	[tilespmem:$0x10000] =	vst v63  }
0x8: {  	s4 =	simm.s32 $0x4000  }
0x9: {  	[tilespmem:s4], [sflag:$0x1] =	stream.linear.gather [hbm4b:s1+s2], $0x2000, $0x38;
	[tilespmem:$0x10000] =	vst v63  }
0xa: {  	s5 =	simm.s32 $0x6000  }
0xb: {  	[tilespmem:s5], [sflag:$0x1] =	stream.linear.gather [hbm4b:s1+s2], $0x2000, $0x38;
	[tilespmem:$0x10000] =	vst v63  }
0xc: {  	s6 =	simm.s32 $0x8000  }
0xd: {  	[tilespmem:s6], [sflag:$0x1] =	stream.linear.gather [hbm4b:s1+s2], $0x2000, $0x38;
	[tilespmem:$0x10000] =	vst v63  }
0xe: {  	s7 =	simm.s32 $0xA000  }
0xf: {  	[tilespmem:s7], [sflag:$0x1] =	stream.linear.gather [hbm4b:s1+s2], $0x2000, $0x38;
	[tilespmem:$0x10000] =	vst v63  }
0x10: {  	s8 =	simm.s32 $0xC000  }
0x11: {  	[tilespmem:s8], [sflag:$0x1] =	stream.linear.gather [hbm4b:s1+s2], $0x2000, $0x38;
	[tilespmem:$0x10000] =	vst v63  }
0x12: {  	s9 =	simm.s32 $0xE000;
	s10 =	simm.s32 $0x1  }
0x13: {  	[tilespmem:s9], [sflag:$0x1] =	stream.linear.gather [hbm4b:s1+s2], $0x2000, $0x38;
	[tilespmem:$0x10000] =	vst v63  }
0x14: {  	_ =	swait.ge [sflag:s10], $0x2000  }
0x15: {  	[sflag:s10] =	ssyncset.done $0x0  }
0x16: {  	[sflag:s10] =	ssyncadd.s32 $0xFFFFE000  }
0x17: {  	_ =	swait.ge [sflag:s10], $0x2000  }
0x18: {  	[sflag:s10] =	ssyncset.done $0x0  }
0x19: {  	[sflag:s10] =	ssyncadd.s32 $0xFFFFE000  }
0x1a: {  	_ =	swait.ge [sflag:s10], $0x2000  }
0x1b: {  	[sflag:s10] =	ssyncset.done $0x0  }
0x1c: {  	[sflag:s10] =	ssyncadd.s32 $0xFFFFE000  }
0x1d: {  	_ =	swait.ge [sflag:s10], $0x2000  }
0x1e: {  	[sflag:s10] =	ssyncset.done $0x0  }
0x1f: {  	[sflag:s10] =	ssyncadd.s32 $0xFFFFE000  }
0x20: {  	_ =	swait.ge [sflag:s10], $0x2000  }
0x21: {  	[sflag:s10] =	ssyncset.done $0x0  }
0x22: {  	[sflag:s10] =	ssyncadd.s32 $0xFFFFE000  }
0x23: {  	_ =	swait.ge [sflag:s10], $0x2000  }
0x24: {  	[sflag:s10] =	ssyncset.done $0x0  }
0x25: {  	[sflag:s10] =	ssyncadd.s32 $0xFFFFE000  }
0x26: {  	_ =	swait.ge [sflag:s10], $0x2000  }
0x27: {  	s13 =	srdreg.scid;
	[sflag:s10] =	ssyncset.done $0x0  }
0x28: {  	s11 =	stileid.u32;
	s30 =	sand.u32 $0x1, s13;
	[sflag:s10] =	ssyncadd.s32 $0xFFFFE000  }
0x29: {  	s31 =	sshll.u32 s11, $0x12;
	s14 =	sshll.u32 s30, $0x11;
	_ =	swait.ge [sflag:s10], $0x2000  }
0x2a: {  	s13 =	sor.u32 s14, s31;
	[sflag:s10] =	ssyncset.done $0x0  }
0x2b: {  	s12 =	sadd.s32 s12, s13;
	[sflag:s10] =	ssyncadd.s32 $0xFFFFE000  }
0x2c: {  	[hbm4b:s12+s2] =	stream.linear.scatter [tilespmem:s2], [sflag:$0x2], $0x10000, $0x38;
	[tilespmem:$0x10000] =	vst v63  }
0x2d: {  	s13 =	sadd.s32 $0x2000, s12  }
0x2e: {  	[hbm4b:s13+s2] =	stream.linear.scatter [tilespmem:s2], [sflag:$0x2], $0x10000, $0x38;
	[tilespmem:$0x10000] =	vst v63  }
0x2f: {  	s14 =	sadd.s32 $0x4000, s12  }
0x30: {  	[hbm4b:s14+s2] =	stream.linear.scatter [tilespmem:s2], [sflag:$0x2], $0x10000, $0x38;
	[tilespmem:$0x10000] =	vst v63  }
0x31: {  	s15 =	sadd.s32 $0x6000, s12  }
0x32: {  	[hbm4b:s15+s2] =	stream.linear.scatter [tilespmem:s2], [sflag:$0x2], $0x10000, $0x38;
	[tilespmem:$0x10000] =	vst v63  }
0x33: {  	s16 =	sadd.s32 $0x8000, s12  }
0x34: {  	[hbm4b:s16+s2] =	stream.linear.scatter [tilespmem:s2], [sflag:$0x2], $0x10000, $0x38;
	[tilespmem:$0x10000] =	vst v63  }
0x35: {  	s17 =	sadd.s32 $0xA000, s12  }
0x36: {  	[hbm4b:s17+s2] =	stream.linear.scatter [tilespmem:s2], [sflag:$0x2], $0x10000, $0x38;
	[tilespmem:$0x10000] =	vst v63  }
0x37: {  	s18 =	sadd.s32 $0xC000, s12  }
0x38: {  	[hbm4b:s18+s2] =	stream.linear.scatter [tilespmem:s2], [sflag:$0x2], $0x10000, $0x38;
	[tilespmem:$0x10000] =	vst v63  }
0x39: {  	s19 =	sadd.s32 $0xE000, s12  }
0x3a: {  	[hbm4b:s19+s2] =	stream.linear.scatter [tilespmem:s2], [sflag:$0x2], $0x10000, $0x38;
	[tilespmem:$0x10000] =	vst v63  }
0x3b: {  	s20 =	sadd.s32 $0x10000, s12  }
0x3c: {  	[hbm4b:s20+s2] =	stream.linear.scatter [tilespmem:s2], [sflag:$0x2], $0x10000, $0x38;
	[tilespmem:$0x10000] =	vst v63  }
0x3d: {  	s21 =	sadd.s32 $0x12000, s12  }
0x3e: {  	[hbm4b:s21+s2] =	stream.linear.scatter [tilespmem:s2], [sflag:$0x2], $0x10000, $0x38;
	[tilespmem:$0x10000] =	vst v63  }
0x3f: {  	s22 =	sadd.s32 $0x14000, s12  }
0x40: {  	[hbm4b:s22+s2] =	stream.linear.scatter [tilespmem:s2], [sflag:$0x2], $0x10000, $0x38;
	[tilespmem:$0x10000] =	vst v63  }
0x41: {  	s23 =	sadd.s32 $0x16000, s12  }
0x42: {  	[hbm4b:s23+s2] =	stream.linear.scatter [tilespmem:s2], [sflag:$0x2], $0x10000, $0x38;
	[tilespmem:$0x10000] =	vst v63  }
0x43: {  	s24 =	sadd.s32 $0x18000, s12  }
0x44: {  	[hbm4b:s24+s2] =	stream.linear.scatter [tilespmem:s2], [sflag:$0x2], $0x10000, $0x38;
	[tilespmem:$0x10000] =	vst v63  }
0x45: {  	s25 =	sadd.s32 $0x1A000, s12  }
0x46: {  	[hbm4b:s25+s2] =	stream.linear.scatter [tilespmem:s2], [sflag:$0x2], $0x10000, $0x38;
	[tilespmem:$0x10000] =	vst v63  }
0x47: {  	s26 =	sadd.s32 $0x1C000, s12  }
0x48: {  	[hbm4b:s26+s2] =	stream.linear.scatter [tilespmem:s2], [sflag:$0x2], $0x10000, $0x38;
	[tilespmem:$0x10000] =	vst v63  }
0x49: {  	s29 =	simm.s32 $0x2;
	s28 =	sadd.s32 $0x1E000, s12  }
0x4a: {  	[hbm4b:s28+s2] =	stream.linear.scatter [tilespmem:s2], [sflag:$0x2], $0x10000, $0x38;
	[tilespmem:$0x10000] =	vst v63  }
0x4b: {  	_ =	swait.ge [sflag:s29], $0x10000  }
0x4c: {  	[sflag:s29] =	ssyncset.done $0x0  }
0x4d: {  	[sflag:s29] =	ssyncadd.s32 $0xFFFF0000  }
0x4e: {  	_ =	swait.ge [sflag:s29], $0x10000  }
0x4f: {  	[sflag:s29] =	ssyncset.done $0x0  }
0x50: {  	[sflag:s29] =	ssyncadd.s32 $0xFFFF0000  }
0x51: {  	_ =	swait.ge [sflag:s29], $0x10000  }
0x52: {  	[sflag:s29] =	ssyncset.done $0x0  }
0x53: {  	[sflag:s29] =	ssyncadd.s32 $0xFFFF0000  }
0x54: {  	_ =	swait.ge [sflag:s29], $0x10000  }
0x55: {  	[sflag:s29] =	ssyncset.done $0x0  }
0x56: {  	[sflag:s29] =	ssyncadd.s32 $0xFFFF0000  }
0x57: {  	_ =	swait.ge [sflag:s29], $0x10000  }
0x58: {  	[sflag:s29] =	ssyncset.done $0x0  }
0x59: {  	[sflag:s29] =	ssyncadd.s32 $0xFFFF0000  }
0x5a: {  	_ =	swait.ge [sflag:s29], $0x10000  }
0x5b: {  	[sflag:s29] =	ssyncset.done $0x0  }
0x5c: {  	[sflag:s29] =	ssyncadd.s32 $0xFFFF0000  }
0x5d: {  	_ =	swait.ge [sflag:s29], $0x10000  }
0x5e: {  	[sflag:s29] =	ssyncset.done $0x0  }
0x5f: {  	[sflag:s29] =	ssyncadd.s32 $0xFFFF0000  }
0x60: {  	_ =	swait.ge [sflag:s29], $0x10000  }
0x61: {  	[sflag:s29] =	ssyncset.done $0x0  }
0x62: {  	[sflag:s29] =	ssyncadd.s32 $0xFFFF0000  }
0x63: {  	_ =	swait.ge [sflag:s29], $0x10000  }
0x64: {  	[sflag:s29] =	ssyncset.done $0x0  }
0x65: {  	[sflag:s29] =	ssyncadd.s32 $0xFFFF0000  }
0x66: {  	_ =	swait.ge [sflag:s29], $0x10000  }
0x67: {  	[sflag:s29] =	ssyncset.done $0x0  }
0x68: {  	[sflag:s29] =	ssyncadd.s32 $0xFFFF0000  }
0x69: {  	_ =	swait.ge [sflag:s29], $0x10000  }
0x6a: {  	[sflag:s29] =	ssyncset.done $0x0  }
0x6b: {  	[sflag:s29] =	ssyncadd.s32 $0xFFFF0000  }
0x6c: {  	_ =	swait.ge [sflag:s29], $0x10000  }
0x6d: {  	[sflag:s29] =	ssyncset.done $0x0  }
0x6e: {  	[sflag:s29] =	ssyncadd.s32 $0xFFFF0000  }
0x6f: {  	_ =	swait.ge [sflag:s29], $0x10000  }
0x70: {  	s30 =	ssub.s32 $0x2, s30;
	[sflag:s29] =	ssyncset.done $0x0  }
0x71: {  	s31 =	sshrl.u32 s30, $0x1;
	[sflag:s29] =	ssyncadd.s32 $0xFFFF0000  }
0x72: {  	s30 =	ssub.s32 s30, s31;
	_ =	swait.ge [sflag:s29], $0x10000  }
0x73: {  	s30 =	smax.u32 s30, $0x1;
	[sflag:s29] =	ssyncset.done $0x0  }
0x74: {  	p0 =	sne.s32 s30, $0x1;
	[sflag:s29] =	ssyncadd.s32 $0xFFFF0000  }
.Ltmp0:
0x75: {  	_ =	swait.ge [sflag:s29], $0x10000;
	(pc) =	sbr.rel @!p0 .LBB2_2-.Ltmp0, $4  }
0x76: {  	[sflag:s29] =	ssyncset.done $0x0  }
0x77: {  	[sflag:s29] =	ssyncadd.s32 $0xFFFF0000  }
0x78: {  	_ =	swait.ge [sflag:s29], $0x10000  }
0x79: {  	s30 =	sadd.s32 $0xFFFFFFFF, s30;
	[sflag:s29] =	ssyncset.done $0x0  }
.LBB2_1:
0x7a: {  	p0 =	sne.s32 s30, $0x1;
	s30 =	sadd.s32 $0xFFFFFFFF, s30;
	[sflag:s29] =	ssyncadd.s32 $0xFFFF0000  }
0x7b: {  	[tilespmem:s2], [sflag:$0x1] =	stream.linear.gather [hbm4b:s1+s2], $0x2000, $0x38;
	[tilespmem:$0x10000] =	vst v63  }
0x7c: {  	_ = 	snop  }
0x7d: {  	[tilespmem:s3], [sflag:$0x1] =	stream.linear.gather [hbm4b:s1+s2], $0x2000, $0x38;
	[tilespmem:$0x10000] =	vst v63  }
0x7e: {  	_ = 	snop  }
0x7f: {  	[tilespmem:s4], [sflag:$0x1] =	stream.linear.gather [hbm4b:s1+s2], $0x2000, $0x38;
	[tilespmem:$0x10000] =	vst v63  }
0x80: {  	_ = 	snop  }
0x81: {  	[tilespmem:s5], [sflag:$0x1] =	stream.linear.gather [hbm4b:s1+s2], $0x2000, $0x38;
	[tilespmem:$0x10000] =	vst v63  }
0x82: {  	_ = 	snop  }
0x83: {  	[tilespmem:s6], [sflag:$0x1] =	stream.linear.gather [hbm4b:s1+s2], $0x2000, $0x38;
	[tilespmem:$0x10000] =	vst v63  }
0x84: {  	_ = 	snop  }
0x85: {  	[tilespmem:s7], [sflag:$0x1] =	stream.linear.gather [hbm4b:s1+s2], $0x2000, $0x38;
	[tilespmem:$0x10000] =	vst v63  }
0x86: {  	_ = 	snop  }
0x87: {  	[tilespmem:s8], [sflag:$0x1] =	stream.linear.gather [hbm4b:s1+s2], $0x2000, $0x38;
	[tilespmem:$0x10000] =	vst v63  }
0x88: {  	_ = 	snop  }
0x89: {  	[tilespmem:s9], [sflag:$0x1] =	stream.linear.gather [hbm4b:s1+s2], $0x2000, $0x38;
	[tilespmem:$0x10000] =	vst v63  }
0x8a: {  	_ =	swait.ge [sflag:s10], $0x2000  }
0x8b: {  	[sflag:s10] =	ssyncset.done $0x0  }
0x8c: {  	[sflag:s10] =	ssyncadd.s32 $0xFFFFE000  }
0x8d: {  	_ =	swait.ge [sflag:s10], $0x2000  }
0x8e: {  	[sflag:s10] =	ssyncset.done $0x0  }
0x8f: {  	[sflag:s10] =	ssyncadd.s32 $0xFFFFE000  }
0x90: {  	_ =	swait.ge [sflag:s10], $0x2000  }
0x91: {  	[sflag:s10] =	ssyncset.done $0x0  }
0x92: {  	[sflag:s10] =	ssyncadd.s32 $0xFFFFE000  }
0x93: {  	_ =	swait.ge [sflag:s10], $0x2000  }
0x94: {  	[sflag:s10] =	ssyncset.done $0x0  }
0x95: {  	[sflag:s10] =	ssyncadd.s32 $0xFFFFE000  }
0x96: {  	_ =	swait.ge [sflag:s10], $0x2000  }
0x97: {  	[sflag:s10] =	ssyncset.done $0x0  }
0x98: {  	[sflag:s10] =	ssyncadd.s32 $0xFFFFE000  }
0x99: {  	_ =	swait.ge [sflag:s10], $0x2000  }
0x9a: {  	[sflag:s10] =	ssyncset.done $0x0  }
0x9b: {  	[sflag:s10] =	ssyncadd.s32 $0xFFFFE000  }
0x9c: {  	_ =	swait.ge [sflag:s10], $0x2000  }
0x9d: {  	[sflag:s10] =	ssyncset.done $0x0  }
0x9e: {  	[sflag:s10] =	ssyncadd.s32 $0xFFFFE000  }
0x9f: {  	_ =	swait.ge [sflag:s10], $0x2000  }
0xa0: {  	[sflag:s10] =	ssyncset.done $0x0  }
0xa1: {  	[sflag:s10] =	ssyncadd.s32 $0xFFFFE000  }
0xa2: {  	[hbm4b:s12+s2] =	stream.linear.scatter [tilespmem:s2], [sflag:$0x2], $0x10000, $0x38;
	[tilespmem:$0x10000] =	vst v63  }
0xa3: {  	_ = 	snop  }
0xa4: {  	[hbm4b:s13+s2] =	stream.linear.scatter [tilespmem:s2], [sflag:$0x2], $0x10000, $0x38;
	[tilespmem:$0x10000] =	vst v63  }
0xa5: {  	_ = 	snop  }
0xa6: {  	[hbm4b:s14+s2] =	stream.linear.scatter [tilespmem:s2], [sflag:$0x2], $0x10000, $0x38;
	[tilespmem:$0x10000] =	vst v63  }
0xa7: {  	_ = 	snop  }
0xa8: {  	[hbm4b:s15+s2] =	stream.linear.scatter [tilespmem:s2], [sflag:$0x2], $0x10000, $0x38;
	[tilespmem:$0x10000] =	vst v63  }
0xa9: {  	_ = 	snop  }
0xaa: {  	[hbm4b:s16+s2] =	stream.linear.scatter [tilespmem:s2], [sflag:$0x2], $0x10000, $0x38;
	[tilespmem:$0x10000] =	vst v63  }
0xab: {  	_ = 	snop  }
0xac: {  	[hbm4b:s17+s2] =	stream.linear.scatter [tilespmem:s2], [sflag:$0x2], $0x10000, $0x38;
	[tilespmem:$0x10000] =	vst v63  }
0xad: {  	_ = 	snop  }
0xae: {  	[hbm4b:s18+s2] =	stream.linear.scatter [tilespmem:s2], [sflag:$0x2], $0x10000, $0x38;
	[tilespmem:$0x10000] =	vst v63  }
0xaf: {  	_ = 	snop  }
0xb0: {  	[hbm4b:s19+s2] =	stream.linear.scatter [tilespmem:s2], [sflag:$0x2], $0x10000, $0x38;
	[tilespmem:$0x10000] =	vst v63  }
0xb1: {  	_ = 	snop  }
0xb2: {  	[hbm4b:s20+s2] =	stream.linear.scatter [tilespmem:s2], [sflag:$0x2], $0x10000, $0x38;
	[tilespmem:$0x10000] =	vst v63  }
0xb3: {  	_ = 	snop  }
0xb4: {  	[hbm4b:s21+s2] =	stream.linear.scatter [tilespmem:s2], [sflag:$0x2], $0x10000, $0x38;
	[tilespmem:$0x10000] =	vst v63  }
0xb5: {  	_ = 	snop  }
0xb6: {  	[hbm4b:s22+s2] =	stream.linear.scatter [tilespmem:s2], [sflag:$0x2], $0x10000, $0x38;
	[tilespmem:$0x10000] =	vst v63  }
0xb7: {  	_ = 	snop  }
0xb8: {  	[hbm4b:s23+s2] =	stream.linear.scatter [tilespmem:s2], [sflag:$0x2], $0x10000, $0x38;
	[tilespmem:$0x10000] =	vst v63  }
0xb9: {  	_ = 	snop  }
0xba: {  	[hbm4b:s24+s2] =	stream.linear.scatter [tilespmem:s2], [sflag:$0x2], $0x10000, $0x38;
	[tilespmem:$0x10000] =	vst v63  }
0xbb: {  	_ = 	snop  }
0xbc: {  	[hbm4b:s25+s2] =	stream.linear.scatter [tilespmem:s2], [sflag:$0x2], $0x10000, $0x38;
	[tilespmem:$0x10000] =	vst v63  }
0xbd: {  	_ = 	snop  }
0xbe: {  	[hbm4b:s26+s2] =	stream.linear.scatter [tilespmem:s2], [sflag:$0x2], $0x10000, $0x38;
	[tilespmem:$0x10000] =	vst v63  }
0xbf: {  	_ = 	snop  }
0xc0: {  	[hbm4b:s28+s2] =	stream.linear.scatter [tilespmem:s2], [sflag:$0x2], $0x10000, $0x38;
	[tilespmem:$0x10000] =	vst v63  }
0xc1: {  	_ =	swait.ge [sflag:s29], $0x10000  }
0xc2: {  	[sflag:s29] =	ssyncset.done $0x0  }
0xc3: {  	[sflag:s29] =	ssyncadd.s32 $0xFFFF0000  }
0xc4: {  	_ =	swait.ge [sflag:s29], $0x10000  }
0xc5: {  	[sflag:s29] =	ssyncset.done $0x0  }
0xc6: {  	[sflag:s29] =	ssyncadd.s32 $0xFFFF0000  }
0xc7: {  	_ =	swait.ge [sflag:s29], $0x10000  }
0xc8: {  	[sflag:s29] =	ssyncset.done $0x0  }
0xc9: {  	[sflag:s29] =	ssyncadd.s32 $0xFFFF0000  }
0xca: {  	_ =	swait.ge [sflag:s29], $0x10000  }
0xcb: {  	[sflag:s29] =	ssyncset.done $0x0  }
0xcc: {  	[sflag:s29] =	ssyncadd.s32 $0xFFFF0000  }
0xcd: {  	_ =	swait.ge [sflag:s29], $0x10000  }
0xce: {  	[sflag:s29] =	ssyncset.done $0x0  }
0xcf: {  	[sflag:s29] =	ssyncadd.s32 $0xFFFF0000  }
0xd0: {  	_ =	swait.ge [sflag:s29], $0x10000  }
0xd1: {  	[sflag:s29] =	ssyncset.done $0x0  }
0xd2: {  	[sflag:s29] =	ssyncadd.s32 $0xFFFF0000  }
0xd3: {  	_ =	swait.ge [sflag:s29], $0x10000  }
0xd4: {  	[sflag:s29] =	ssyncset.done $0x0  }
0xd5: {  	[sflag:s29] =	ssyncadd.s32 $0xFFFF0000  }
0xd6: {  	_ =	swait.ge [sflag:s29], $0x10000  }
0xd7: {  	[sflag:s29] =	ssyncset.done $0x0  }
0xd8: {  	[sflag:s29] =	ssyncadd.s32 $0xFFFF0000  }
0xd9: {  	_ =	swait.ge [sflag:s29], $0x10000  }
0xda: {  	[sflag:s29] =	ssyncset.done $0x0  }
0xdb: {  	[sflag:s29] =	ssyncadd.s32 $0xFFFF0000  }
0xdc: {  	_ =	swait.ge [sflag:s29], $0x10000  }
0xdd: {  	[sflag:s29] =	ssyncset.done $0x0  }
0xde: {  	[sflag:s29] =	ssyncadd.s32 $0xFFFF0000  }
0xdf: {  	_ =	swait.ge [sflag:s29], $0x10000  }
0xe0: {  	[sflag:s29] =	ssyncset.done $0x0  }
0xe1: {  	[sflag:s29] =	ssyncadd.s32 $0xFFFF0000  }
0xe2: {  	_ =	swait.ge [sflag:s29], $0x10000  }
0xe3: {  	[sflag:s29] =	ssyncset.done $0x0  }
0xe4: {  	[sflag:s29] =	ssyncadd.s32 $0xFFFF0000  }
0xe5: {  	_ =	swait.ge [sflag:s29], $0x10000  }
0xe6: {  	[sflag:s29] =	ssyncset.done $0x0  }
0xe7: {  	[sflag:s29] =	ssyncadd.s32 $0xFFFF0000  }
0xe8: {  	_ =	swait.ge [sflag:s29], $0x10000  }
0xe9: {  	[sflag:s29] =	ssyncset.done $0x0  }
0xea: {  	[sflag:s29] =	ssyncadd.s32 $0xFFFF0000  }
.Ltmp1:
0xeb: {  	_ =	swait.ge [sflag:s29], $0x10000;
	(pc) =	sbr.rel @p0 .LBB2_1-.Ltmp1, $4  }
0xec: {  	[sflag:s29] =	ssyncset.done $0x0  }
0xed: {  	[sflag:s29] =	ssyncadd.s32 $0xFFFF0000  }
0xee: {  	_ =	swait.ge [sflag:s29], $0x10000  }
0xef: {  	[sflag:s29] =	ssyncset.done $0x0  }
.LBB2_2:
0xf0: {  	[sflag:s29] =	ssyncadd.s32 $0xFFFF0000  }
0xf1: {  	_ =	sfence.sel $0x180000  }
0xf2: {  	[bflag:$0x0] =	sbarrier.arrive $0xFFFF  }
0xf3: {  	p0 =	sne.s32 s11, $0x0;
	_ =	strace $0x90000047  }
0xf4: {  	s0 =	sadd.s32 @!p0 $0x100000, s0;
	[bflag:$0x2] =	sbarrier.arrive $0xFFFF  }
0xf5: {  	[sflag:s0] =	ssyncadd.tile.s32 @!p0 $0x1;
	_ =	shalt  }
.Lfunc_end2:
_tile_overlayer_lowered:
.L_overlay_start_2:
0xf6: {  	(tag) =	ssettag $0x2  }
0xf7: {  	s0 =	rddreg [dreg:$0x0];
	s2 =	stileid.u32  }
0xf8: {  	s1 =	rddreg [dreg:$0x1];
	p0 =	sne.s32 s2, $0x0  }
0xf9: {  	s3 =	rddreg [dreg:$0x2];
	[bflag:$0x3] =	sbarrier.arrive $0xFFFF;
	s2 =	simm.s32 @!p0 $0x1C03  }
0xfa: {  	[timem:s3], [sflag:s2] =	dma.local @!p0 [hbm:s0], s1  }
0xfb: {  	s0 =	simm.s32 @!p0 $0x3  }
0xfc: {  	_ =	swait.ge @!p0 [sflag:s0], s1  }
0xfd: {  	s1 =	ssub.s32 @!p0 $0x0, s1;
	[sflag:s0] =	ssyncset.done @!p0 $0x0  }
0xfe: {  	[sflag:s0] =	ssyncadd.s32 @!p0 s1  }
0xff: {  	[bflag:$0x3] =	sbarrier.arrive $0xFFFF  }
0x100: {  	_ =	shalt  }

</sc_bundles>
